<compile_context>
chip_gen: v7x
topology: tpu7x:2x2x1
jax: 0.10.2.dev20260603
libtpu: 0.0.44.dev20260713+nightly
codegen_flags: <defaults>
</compile_context>

<pallas_src>
import functools

import jax
import jax.numpy as jnp
from jax import lax
from jax.experimental import pallas as pl
from jax.experimental.pallas import tpu as pltpu
from jax.experimental.pallas import tpu_sc as plsc

F32 = jnp.float32
_NW = 32
_CW = 128


def _lk(v):
    return jnp.where(v >= 0, v, 0.1 * v)



def _make_deg(N, CH, NZB):
    mesh = plsc.VectorSubcoreMesh(core_axis_name="c", subcore_axis_name="s")
    NOUT = NZB * 16 * _CW
    rows_out = NOUT // 16
    K = 8

    @functools.partial(
        pl.kernel,
        out_type=jax.ShapeDtypeStruct((2, NOUT, 16), F32),
        mesh=mesh,
        scratch_types=[
            pltpu.VMEM((CH, _CW), jnp.int32),
            pltpu.VMEM((_CW, 16), F32),
            pltpu.VMEM_SHARED((NOUT, 16), F32),
            pltpu.SemaphoreType.DMA,
        ],
    )
    def deg_kernel(dst_hbm, zeros_hbm, ones_hbm, out_hbm, dst_v, ones_v, deg_sh, sem):
        c = lax.axis_index("c")
        s = lax.axis_index("s")
        wid = s * 2 + c
        pltpu.sync_copy(zeros_hbm, ones_v)
        for k in range(NZB):
            pltpu.sync_copy(ones_v, deg_sh.at[pl.ds((s * NZB + k) * _CW, _CW)])
        pltpu.sync_copy(ones_hbm, ones_v)
        pltpu.sync_copy(dst_hbm.at[wid], dst_v)
        plsc.subcore_barrier()

        def body(i, carry):
            descs = [pltpu.async_copy(ones_v, deg_sh.at[dst_v.at[i * K + j]],
                                      sem, add=True) for j in range(K)]
            for d in descs:
                d.wait()
            return carry

        lax.fori_loop(0, CH // K, body, 0)
        plsc.subcore_barrier()
        pltpu.sync_copy(deg_sh.at[pl.ds(s * rows_out, rows_out)],
                        out_hbm.at[c, pl.ds(s * rows_out, rows_out)])

    return deg_kernel


def _make_acc(N, D, CHT, NZB):
    mesh = plsc.VectorSubcoreMesh(core_axis_name="c", subcore_axis_name="s")
    HD = D // 2
    NOUT = NZB * 16 * _CW
    rows_out = NOUT // 16
    EPT = CHT * _CW
    NSLOT = 4

    @functools.partial(
        pl.kernel,
        out_type=jax.ShapeDtypeStruct((2, NOUT, HD), F32),
        mesh=mesh,
        compiler_params=pltpu.CompilerParams(use_tc_tiling_on_sc=False),
        scratch_types=[
            pltpu.VMEM((EPT,), jnp.int32),
            pltpu.VMEM((CHT, _CW), jnp.int32),
            [pltpu.VMEM((_CW, HD), F32) for _ in range(NSLOT)],
            [pltpu.SemaphoreType.DMA for _ in range(NSLOT)],
            pltpu.VMEM_SHARED((NOUT, HD), F32),
        ],
    )
    def acc_kernel(hs_hbm, src_hbm, dst_hbm, zeros_hbm, out_hbm,
                   src_v, dst_v, rows, gsems, acc_sh):
        c = lax.axis_index("c")
        s = lax.axis_index("s")
        pltpu.sync_copy(zeros_hbm, rows[0])
        for k in range(NZB):
            pltpu.sync_copy(rows[0], acc_sh.at[pl.ds((s * NZB + k) * _CW, _CW)])
        pltpu.sync_copy(src_hbm.at[c, pl.ds(s * EPT, EPT)], src_v)
        pltpu.sync_copy(dst_hbm.at[s], dst_v)
        plsc.subcore_barrier()

        for b in range(NSLOT):
            pltpu.async_copy(hs_hbm.at[src_v.at[pl.ds(b * _CW, _CW)]],
                             rows[b], gsems[b])

        def body(i, carry):
            for b in range(NSLOT):
                ch = NSLOT * i + b
                pltpu.make_async_copy(hs_hbm.at[src_v.at[pl.ds(ch * _CW, _CW)]],
                                      rows[b], gsems[b]).wait()
                pltpu.sync_copy(rows[b], acc_sh.at[dst_v.at[ch]], add=True)
                nxt = ch + NSLOT

                @pl.when(nxt < CHT)
                def _():
                    pltpu.async_copy(
                        hs_hbm.at[src_v.at[pl.ds(nxt * _CW, _CW)]],
                        rows[b], gsems[b])

            return carry

        lax.fori_loop(0, CHT // NSLOT, body, 0)
        plsc.subcore_barrier()
        pltpu.sync_copy(acc_sh.at[pl.ds(s * rows_out, rows_out)],
                        out_hbm.at[c, pl.ds(s * rows_out, rows_out)])

    return acc_kernel



_DOT = dict(preferred_element_type=F32, precision=lax.Precision.HIGHEST)


def _make_mm(N, D, BLK):
    nb = N // BLK

    def body(x_ref, w1_ref, deg_ref, hs_ref):
        h = lax.dot_general(x_ref[...], w1_ref[...], (((1,), (1,)), ((), ())), **_DOT)
        deg = deg_ref[0] + deg_ref[1]
        dinv = lax.rsqrt(deg[:, 0:1] + 1.0)
        hs_ref[...] = h * dinv

    return pl.pallas_call(
        body,
        grid=(nb,),
        in_specs=[
            pl.BlockSpec((BLK, D), lambda i: (i, 0)),
            pl.BlockSpec((D, D), lambda i: (0, 0)),
            pl.BlockSpec((2, BLK, 16), lambda i: (0, i, 0)),
        ],
        out_specs=pl.BlockSpec((BLK, D), lambda i: (i, 0)),
        out_shape=jax.ShapeDtypeStruct((N, D), F32),
    )


def _make_post(N, D, H, C, BLK):
    nb = N // BLK
    CP = 16

    def body(x_ref, hs_ref, accp_ref, deg_ref, b1_ref, g_ref, be_ref,
             w2_ref, b2_ref, w3_ref, b3_ref, pred_ref, s_ref, sum_ref, sq_ref):
        p = pl.program_id(0)
        b = pl.program_id(1)
        deg = deg_ref[0] + deg_ref[1]
        dinv = lax.rsqrt(deg[:, 0:1] + 1.0)
        acc = jnp.concatenate([accp_ref[0], accp_ref[1]], axis=1)
        conv = dinv * (hs_ref[...] + acc) + b1_ref[...]
        hpre = _lk(_lk(conv))

        @pl.when(jnp.logical_and(p == 0, b == 0))
        def _():
            sum_ref[...] = jnp.zeros_like(sum_ref)
            sq_ref[...] = jnp.zeros_like(sq_ref)

        @pl.when(p == 0)
        def _():
            sum_ref[...] += jnp.sum(hpre, axis=0, keepdims=True)
            sq_ref[...] += jnp.sum(hpre * hpre, axis=0, keepdims=True)

        @pl.when(p == 1)
        def _():
            mean = sum_ref[...] * (1.0 / N)
            var = sq_ref[...] * (1.0 / N) - mean * mean
            hn = (hpre - mean) * lax.rsqrt(var + 1e-5) * g_ref[...] + be_ref[...]
            r = x_ref[...] + 0.01 * _lk(hn)
            h2 = _lk(lax.dot_general(r, w2_ref[...], (((1,), (1,)), ((), ())), **_DOT)
                     + b2_ref[...])
            logits = lax.dot_general(h2, w3_ref[...], (((1,), (1,)), ((), ())), **_DOT) \
                + b3_ref[...]
            col = lax.broadcasted_iota(jnp.int32, logits.shape, 1)
            valid = col < C
            m = jnp.max(jnp.where(valid, logits, -1e30), axis=1, keepdims=True)
            e = jnp.where(valid, jnp.exp(logits - m), 0.0)
            prob = e / jnp.sum(e, axis=1, keepdims=True)
            S = 1.0 - prob
            for sh in (1, 2, 4, 8):
                S = S * jnp.concatenate(
                    [jnp.ones((BLK, sh), F32), S[:, :CP - sh]], axis=1)
            pred_ref[...] = prob
            s_ref[...] = S

    return pl.pallas_call(
        body,
        grid=(2, nb),
        in_specs=[
            pl.BlockSpec((BLK, D), lambda p, b: (b, 0)),
            pl.BlockSpec((BLK, D), lambda p, b: (b, 0)),
            pl.BlockSpec((2, BLK, D // 2), lambda p, b: (0, b, 0)),
            pl.BlockSpec((2, BLK, 16), lambda p, b: (0, b, 0)),
            pl.BlockSpec((1, D), lambda p, b: (0, 0)),
            pl.BlockSpec((1, D), lambda p, b: (0, 0)),
            pl.BlockSpec((1, D), lambda p, b: (0, 0)),
            pl.BlockSpec((H, D), lambda p, b: (0, 0)),
            pl.BlockSpec((1, H), lambda p, b: (0, 0)),
            pl.BlockSpec((CP, H), lambda p, b: (0, 0)),
            pl.BlockSpec((1, CP), lambda p, b: (0, 0)),
        ],
        out_specs=[
            pl.BlockSpec((BLK, CP), lambda p, b: (b, 0)),
            pl.BlockSpec((BLK, CP), lambda p, b: (b, 0)),
        ],
        out_shape=[
            jax.ShapeDtypeStruct((N, CP), F32),
            jax.ShapeDtypeStruct((N, CP), F32),
        ],
        scratch_shapes=[
            pltpu.VMEM((1, D), F32),
            pltpu.VMEM((1, D), F32),
        ],
    )



def kernel(x, edge_index, W1, b1, gamma, beta, W2, b2, W3, b3):
    N, D = x.shape
    E = edge_index.shape[1]
    H = W2.shape[0]
    C = W3.shape[0]
    CP = 16
    CH = -(-E // (_NW * _CW))
    CH = -(-CH // 8) * 8
    EPAD = _NW * CH * _CW
    NZB = -(-(N + 1) // (16 * _CW))

    padv = jnp.full((EPAD - E,), N, jnp.int32)
    src_flat = jnp.concatenate([edge_index[0], padv])
    dst_flat = jnp.concatenate([edge_index[1], padv])
    dst3 = dst_flat.reshape(_NW, CH, _CW)
    CHT = EPAD // (16 * _CW)
    src2 = jnp.stack([2 * src_flat, 2 * src_flat + 1])
    dstT = dst_flat.reshape(16, CHT, _CW)
    zeros16 = jnp.zeros((_CW, 16), F32)
    ones16 = jnp.ones((_CW, 16), F32)
    zerosH = jnp.zeros((_CW, D // 2), F32)

    deg2 = _make_deg(N, CH, NZB)(dst3, zeros16, ones16)[:, :N]
    hs = _make_mm(N, D, 2000)(x, W1, deg2)
    hs_pad = jnp.concatenate([hs, jnp.zeros((8, D), F32)], axis=0)
    hs_flat = hs_pad.reshape(2 * (N + 8), D // 2)
    accp = _make_acc(N, D, CHT, NZB)(hs_flat, src2, dstT, zerosH)[:, :N]

    W3p = jnp.concatenate([W3, jnp.zeros((CP - C, H), F32)], axis=0)
    b3p = jnp.concatenate([b3, jnp.zeros((CP - C,), F32)]).reshape(1, CP)
    pred16, S16 = _make_post(N, D, H, C, 2000)(
        x, hs, accp, deg2,
        b1.reshape(1, D), gamma.reshape(1, D), beta.reshape(1, D),
        W2, b2.reshape(1, H), W3p, b3p)
    return pred16[:, :C], S16[:, :C]

# --- scband reference (transcript-rebuilt; emitter-appended) ---
"""Pipeline reference for scband-mnn-gnn-47218870452456 (READ-ONLY COPY).

The authoritative reference and input builder live on the scoring server;
editing this copy changes nothing except your own understanding.
"""

import jax, jax.numpy as jnp
import numpy as np

N = 10000
E = 320000
D = 128
H = 64
C = 10


def setup_inputs(seed: int = 0):
    key = jax.random.key(seed)
    ks = jax.random.split(key, 8)
    x = jax.random.normal(ks[0], (N, D), dtype=jnp.float32)
    edge_index = jax.random.randint(ks[1], (2, E), 0, N, dtype=jnp.int32)
    W1 = jax.random.normal(ks[2], (D, D), dtype=jnp.float32) * (1.0 / np.sqrt(D))
    b1 = jnp.zeros((D,), jnp.float32)
    gamma = jnp.ones((D,), jnp.float32)
    beta = jnp.zeros((D,), jnp.float32)
    W2 = jax.random.normal(ks[3], (H, D), dtype=jnp.float32) * (1.0 / np.sqrt(D))
    b2 = jnp.zeros((H,), jnp.float32)
    W3 = jax.random.normal(ks[4], (C, H), dtype=jnp.float32) * (1.0 / np.sqrt(H))
    b3 = jnp.zeros((C,), jnp.float32)
    return {"x": x, "edge_index": edge_index, "W1": W1, "b1": b1, "gamma": gamma, "beta": beta, "W2": W2, "b2": b2, "W3": W3, "b3": b3}


def _leaky(v):
    return jnp.where(v >= 0, v, 0.1 * v)


def _gcn_conv(x, edge_index, W, b):
    n = x.shape[0]
    loop = jnp.arange(n, dtype=edge_index.dtype)
    src = jnp.concatenate([edge_index[0], loop])
    dst = jnp.concatenate([edge_index[1], loop])
    deg = jax.ops.segment_sum(jnp.ones_like(dst, dtype=jnp.float32), dst, num_segments=n)
    dinv = jnp.where(deg > 0, jax.lax.rsqrt(jnp.maximum(deg, 1e-12)), 0.0)
    norm = dinv[src] * dinv[dst]
    h = x @ W.T
    msg = h[src] * norm[:, None]
    out = jax.ops.segment_sum(msg, dst, num_segments=n)
    return out + b


def reference(x, edge_index, W1, b1, gamma, beta, W2, b2, W3, b3):
    feature = x
    x1 = _leaky(_gcn_conv(x, edge_index, W1, b1))
    h = _leaky(x1)
    mean = jnp.mean(h, axis=0)
    var = jnp.var(h, axis=0)
    h = (h - mean) * jax.lax.rsqrt(var + 1e-5) * gamma + beta
    h = _leaky(h)
    h = feature + 0.01 * h
    h = _leaky(h @ W2.T + b2)
    h = h @ W3.T + b3
    predict = jax.nn.softmax(h, axis=1)
    S = jnp.cumprod(1.0 - predict, axis=1)
    return (predict, S)

if __name__ == "__main__":
    import jax
    _d = setup_inputs()
    print(jax.jit(kernel)(*tuple(_d.values())))

</pallas_src>

<mosaic_0001>
#map = affine_map<(d0, d1) -> (0, 0)>
#map1 = affine_map<(d0, d1) -> (0, 0, 0)>
module attributes {stable_mosaic.version = 14 : i64} {
  func.func @acc_kernel(%arg0: i32, %arg1: i32, %arg2: memref<20016x64xf32, #tpu.memory_space<hbm>>, %arg3: memref<2x327680xi32, #tpu.memory_space<hbm>>, %arg4: memref<16x160x128xi32, #tpu.memory_space<hbm>>, %arg5: memref<128x64xf32, #tpu.memory_space<hbm>>, %arg6: memref<2x10240x64xf32, #tpu.memory_space<hbm>>, %arg7: memref<20480xi32, #tpu.memory_space<vmem>>, %arg8: memref<160x128xi32, #tpu.memory_space<vmem>>, %arg9: memref<128x64xf32, #tpu.memory_space<vmem>>, %arg10: memref<128x64xf32, #tpu.memory_space<vmem>>, %arg11: memref<128x64xf32, #tpu.memory_space<vmem>>, %arg12: memref<128x64xf32, #tpu.memory_space<vmem>>, %arg13: memref<!tpu.dma_semaphore, #tpu.memory_space<semaphore_mem>>, %arg14: memref<!tpu.dma_semaphore, #tpu.memory_space<semaphore_mem>>, %arg15: memref<!tpu.dma_semaphore, #tpu.memory_space<semaphore_mem>>, %arg16: memref<!tpu.dma_semaphore, #tpu.memory_space<semaphore_mem>>, %arg17: memref<10240x64xf32, #tpu.memory_space<vmem_shared>>) attributes {dimension_semantics = [#tpu.dimension_semantics<core_parallel>, #tpu.dimension_semantics<subcore_parallel>], iteration_bounds = array<i64: 2, 16>, scalar_prefetch = 0 : i64, scratch_operands = 11 : i64, tpu.core_type = #tpu.core_type<sc_vector_subcore>, window_params = [{transform_indices = #map}, {transform_indices = #map}, {transform_indices = #map1}, {transform_indices = #map}, {transform_indices = #map1}]} {
    "tpu.region"() ({
      %run_scoped3A = tpu.sem_alloc : memref<!tpu.dma_semaphore, #tpu.memory_space<semaphore_mem>>
      tpu.enqueue_dma source(%arg5 : memref<128x64xf32, #tpu.memory_space<hbm>>) target(%arg9 : memref<128x64xf32, #tpu.memory_space<vmem>>) target_semaphore(%run_scoped3A : memref<!tpu.dma_semaphore, #tpu.memory_space<semaphore_mem>>)
      tpu.wait_dma2 semaphore(%run_scoped3A : memref<!tpu.dma_semaphore, #tpu.memory_space<semaphore_mem>>) src(%arg5 : memref<128x64xf32, #tpu.memory_space<hbm>>) dst(%arg9 : memref<128x64xf32, #tpu.memory_space<vmem>>)
      tpu.yield
    }) : () -> ()
    %mul3A = arith.constant 5 : i32
    %mul3A_0 = arith.muli %arg1, %mul3A : i32
    %add3A = arith.constant 0 : i32
    %add3A_1 = arith.addi %mul3A_0, %add3A : i32
    %mul3A_2 = arith.constant 128 : i32
    %mul3A_3 = arith.muli %add3A_1, %mul3A_2 : i32
    "tpu.region"() ({
      %run_scoped3A = tpu.sem_alloc : memref<!tpu.dma_semaphore, #tpu.memory_space<semaphore_mem>>
      %dma_start3A_59 = arith.constant 0 : i32
      %dma_start3A_60 = tpu.memref_slice %arg17[%mul3A_3, %dma_start3A_59] : memref<10240x64xf32, #tpu.memory_space<vmem_shared>> -> memref<128x64xf32, #tpu.memory_space<vmem_shared>>
      %dma_start3A_61 = arith.constant 0 : i32
      %dma_start3A_62 = tpu.memref_slice %arg17[%mul3A_3, %dma_start3A_61] : memref<10240x64xf32, #tpu.memory_space<vmem_shared>> -> memref<128x64xf32, #tpu.memory_space<vmem_shared>>
      tpu.enqueue_dma source(%arg9 : memref<128x64xf32, #tpu.memory_space<vmem>>) target(%dma_start3A_62 : memref<128x64xf32, #tpu.memory_space<vmem_shared>>) target_semaphore(%run_scoped3A : memref<!tpu.dma_semaphore, #tpu.memory_space<semaphore_mem>>)
      %dma_wait3A = arith.constant 0 : i32
      %dma_wait3A_63 = tpu.memref_slice %arg17[%mul3A_3, %dma_wait3A] : memref<10240x64xf32, #tpu.memory_space<vmem_shared>> -> memref<128x64xf32, #tpu.memory_space<vmem_shared>>
      %dma_wait3A_64 = arith.constant 0 : i32
      %dma_wait3A_65 = tpu.memref_slice %arg17[%mul3A_3, %dma_wait3A_64] : memref<10240x64xf32, #tpu.memory_space<vmem_shared>> -> memref<128x64xf32, #tpu.memory_space<vmem_shared>>
      tpu.wait_dma2 semaphore(%run_scoped3A : memref<!tpu.dma_semaphore, #tpu.memory_space<semaphore_mem>>) src(%arg9 : memref<128x64xf32, #tpu.memory_space<vmem>>) dst(%dma_wait3A_65 : memref<128x64xf32, #tpu.memory_space<vmem_shared>>)
      tpu.yield
    }) : () -> ()
    %mul3A_4 = arith.constant 5 : i32
    %mul3A_5 = arith.muli %arg1, %mul3A_4 : i32
    %add3A_6 = arith.constant 1 : i32
    %add3A_7 = arith.addi %mul3A_5, %add3A_6 : i32
    %mul3A_8 = arith.constant 128 : i32
    %mul3A_9 = arith.muli %add3A_7, %mul3A_8 : i32
    "tpu.region"() ({
      %run_scoped3A = tpu.sem_alloc : memref<!tpu.dma_semaphore, #tpu.memory_space<semaphore_mem>>
      %dma_start3A_59 = arith.constant 0 : i32
      %dma_start3A_60 = tpu.memref_slice %arg17[%mul3A_9, %dma_start3A_59] : memref<10240x64xf32, #tpu.memory_space<vmem_shared>> -> memref<128x64xf32, #tpu.memory_space<vmem_shared>>
      %dma_start3A_61 = arith.constant 0 : i32
      %dma_start3A_62 = tpu.memref_slice %arg17[%mul3A_9, %dma_start3A_61] : memref<10240x64xf32, #tpu.memory_space<vmem_shared>> -> memref<128x64xf32, #tpu.memory_space<vmem_shared>>
      tpu.enqueue_dma source(%arg9 : memref<128x64xf32, #tpu.memory_space<vmem>>) target(%dma_start3A_62 : memref<128x64xf32, #tpu.memory_space<vmem_shared>>) target_semaphore(%run_scoped3A : memref<!tpu.dma_semaphore, #tpu.memory_space<semaphore_mem>>)
      %dma_wait3A = arith.constant 0 : i32
      %dma_wait3A_63 = tpu.memref_slice %arg17[%mul3A_9, %dma_wait3A] : memref<10240x64xf32, #tpu.memory_space<vmem_shared>> -> memref<128x64xf32, #tpu.memory_space<vmem_shared>>
      %dma_wait3A_64 = arith.constant 0 : i32
      %dma_wait3A_65 = tpu.memref_slice %arg17[%mul3A_9, %dma_wait3A_64] : memref<10240x64xf32, #tpu.memory_space<vmem_shared>> -> memref<128x64xf32, #tpu.memory_space<vmem_shared>>
      tpu.wait_dma2 semaphore(%run_scoped3A : memref<!tpu.dma_semaphore, #tpu.memory_space<semaphore_mem>>) src(%arg9 : memref<128x64xf32, #tpu.memory_space<vmem>>) dst(%dma_wait3A_65 : memref<128x64xf32, #tpu.memory_space<vmem_shared>>)
      tpu.yield
    }) : () -> ()
    %mul3A_10 = arith.constant 5 : i32
    %mul3A_11 = arith.muli %arg1, %mul3A_10 : i32
    %add3A_12 = arith.constant 2 : i32
    %add3A_13 = arith.addi %mul3A_11, %add3A_12 : i32
    %mul3A_14 = arith.constant 128 : i32
    %mul3A_15 = arith.muli %add3A_13, %mul3A_14 : i32
    "tpu.region"() ({
      %run_scoped3A = tpu.sem_alloc : memref<!tpu.dma_semaphore, #tpu.memory_space<semaphore_mem>>
      %dma_start3A_59 = arith.constant 0 : i32
      %dma_start3A_60 = tpu.memref_slice %arg17[%mul3A_15, %dma_start3A_59] : memref<10240x64xf32, #tpu.memory_space<vmem_shared>> -> memref<128x64xf32, #tpu.memory_space<vmem_shared>>
      %dma_start3A_61 = arith.constant 0 : i32
      %dma_start3A_62 = tpu.memref_slice %arg17[%mul3A_15, %dma_start3A_61] : memref<10240x64xf32, #tpu.memory_space<vmem_shared>> -> memref<128x64xf32, #tpu.memory_space<vmem_shared>>
      tpu.enqueue_dma source(%arg9 : memref<128x64xf32, #tpu.memory_space<vmem>>) target(%dma_start3A_62 : memref<128x64xf32, #tpu.memory_space<vmem_shared>>) target_semaphore(%run_scoped3A : memref<!tpu.dma_semaphore, #tpu.memory_space<semaphore_mem>>)
      %dma_wait3A = arith.constant 0 : i32
      %dma_wait3A_63 = tpu.memref_slice %arg17[%mul3A_15, %dma_wait3A] : memref<10240x64xf32, #tpu.memory_space<vmem_shared>> -> memref<128x64xf32, #tpu.memory_space<vmem_shared>>
      %dma_wait3A_64 = arith.constant 0 : i32
      %dma_wait3A_65 = tpu.memref_slice %arg17[%mul3A_15, %dma_wait3A_64] : memref<10240x64xf32, #tpu.memory_space<vmem_shared>> -> memref<128x64xf32, #tpu.memory_space<vmem_shared>>
      tpu.wait_dma2 semaphore(%run_scoped3A : memref<!tpu.dma_semaphore, #tpu.memory_space<semaphore_mem>>) src(%arg9 : memref<128x64xf32, #tpu.memory_space<vmem>>) dst(%dma_wait3A_65 : memref<128x64xf32, #tpu.memory_space<vmem_shared>>)
      tpu.yield
    }) : () -> ()
    %mul3A_16 = arith.constant 5 : i32
    %mul3A_17 = arith.muli %arg1, %mul3A_16 : i32
    %add3A_18 = arith.constant 3 : i32
    %add3A_19 = arith.addi %mul3A_17, %add3A_18 : i32
    %mul3A_20 = arith.constant 128 : i32
    %mul3A_21 = arith.muli %add3A_19, %mul3A_20 : i32
    "tpu.region"() ({
      %run_scoped3A = tpu.sem_alloc : memref<!tpu.dma_semaphore, #tpu.memory_space<semaphore_mem>>
      %dma_start3A_59 = arith.constant 0 : i32
      %dma_start3A_60 = tpu.memref_slice %arg17[%mul3A_21, %dma_start3A_59] : memref<10240x64xf32, #tpu.memory_space<vmem_shared>> -> memref<128x64xf32, #tpu.memory_space<vmem_shared>>
      %dma_start3A_61 = arith.constant 0 : i32
      %dma_start3A_62 = tpu.memref_slice %arg17[%mul3A_21, %dma_start3A_61] : memref<10240x64xf32, #tpu.memory_space<vmem_shared>> -> memref<128x64xf32, #tpu.memory_space<vmem_shared>>
      tpu.enqueue_dma source(%arg9 : memref<128x64xf32, #tpu.memory_space<vmem>>) target(%dma_start3A_62 : memref<128x64xf32, #tpu.memory_space<vmem_shared>>) target_semaphore(%run_scoped3A : memref<!tpu.dma_semaphore, #tpu.memory_space<semaphore_mem>>)
      %dma_wait3A = arith.constant 0 : i32
      %dma_wait3A_63 = tpu.memref_slice %arg17[%mul3A_21, %dma_wait3A] : memref<10240x64xf32, #tpu.memory_space<vmem_shared>> -> memref<128x64xf32, #tpu.memory_space<vmem_shared>>
      %dma_wait3A_64 = arith.constant 0 : i32
      %dma_wait3A_65 = tpu.memref_slice %arg17[%mul3A_21, %dma_wait3A_64] : memref<10240x64xf32, #tpu.memory_space<vmem_shared>> -> memref<128x64xf32, #tpu.memory_space<vmem_shared>>
      tpu.wait_dma2 semaphore(%run_scoped3A : memref<!tpu.dma_semaphore, #tpu.memory_space<semaphore_mem>>) src(%arg9 : memref<128x64xf32, #tpu.memory_space<vmem>>) dst(%dma_wait3A_65 : memref<128x64xf32, #tpu.memory_space<vmem_shared>>)
      tpu.yield
    }) : () -> ()
    %mul3A_22 = arith.constant 5 : i32
    %mul3A_23 = arith.muli %arg1, %mul3A_22 : i32
    %add3A_24 = arith.constant 4 : i32
    %add3A_25 = arith.addi %mul3A_23, %add3A_24 : i32
    %mul3A_26 = arith.constant 128 : i32
    %mul3A_27 = arith.muli %add3A_25, %mul3A_26 : i32
    "tpu.region"() ({
      %run_scoped3A = tpu.sem_alloc : memref<!tpu.dma_semaphore, #tpu.memory_space<semaphore_mem>>
      %dma_start3A_59 = arith.constant 0 : i32
      %dma_start3A_60 = tpu.memref_slice %arg17[%mul3A_27, %dma_start3A_59] : memref<10240x64xf32, #tpu.memory_space<vmem_shared>> -> memref<128x64xf32, #tpu.memory_space<vmem_shared>>
      %dma_start3A_61 = arith.constant 0 : i32
      %dma_start3A_62 = tpu.memref_slice %arg17[%mul3A_27, %dma_start3A_61] : memref<10240x64xf32, #tpu.memory_space<vmem_shared>> -> memref<128x64xf32, #tpu.memory_space<vmem_shared>>
      tpu.enqueue_dma source(%arg9 : memref<128x64xf32, #tpu.memory_space<vmem>>) target(%dma_start3A_62 : memref<128x64xf32, #tpu.memory_space<vmem_shared>>) target_semaphore(%run_scoped3A : memref<!tpu.dma_semaphore, #tpu.memory_space<semaphore_mem>>)
      %dma_wait3A = arith.constant 0 : i32
      %dma_wait3A_63 = tpu.memref_slice %arg17[%mul3A_27, %dma_wait3A] : memref<10240x64xf32, #tpu.memory_space<vmem_shared>> -> memref<128x64xf32, #tpu.memory_space<vmem_shared>>
      %dma_wait3A_64 = arith.constant 0 : i32
      %dma_wait3A_65 = tpu.memref_slice %arg17[%mul3A_27, %dma_wait3A_64] : memref<10240x64xf32, #tpu.memory_space<vmem_shared>> -> memref<128x64xf32, #tpu.memory_space<vmem_shared>>
      tpu.wait_dma2 semaphore(%run_scoped3A : memref<!tpu.dma_semaphore, #tpu.memory_space<semaphore_mem>>) src(%arg9 : memref<128x64xf32, #tpu.memory_space<vmem>>) dst(%dma_wait3A_65 : memref<128x64xf32, #tpu.memory_space<vmem_shared>>)
      tpu.yield
    }) : () -> ()
    %mul3A_28 = arith.constant 20480 : i32
    %mul3A_29 = arith.muli %arg1, %mul3A_28 : i32
    "tpu.region"() ({
      %run_scoped3A = tpu.sem_alloc : memref<!tpu.dma_semaphore, #tpu.memory_space<semaphore_mem>>
      %dma_start3A_59 = tpu.memref_slice %arg3[%arg0, %mul3A_29] : memref<2x327680xi32, #tpu.memory_space<hbm>> -> memref<1x20480xi32, #tpu.memory_space<hbm>>
      %dma_start3A_60 = tpu.memref_squeeze %dma_start3A_59 : memref<1x20480xi32, #tpu.memory_space<hbm>> -> memref<20480xi32, #tpu.memory_space<hbm>>
      %dma_start3A_61 = tpu.memref_slice %arg3[%arg0, %mul3A_29] : memref<2x327680xi32, #tpu.memory_space<hbm>> -> memref<1x20480xi32, #tpu.memory_space<hbm>>
      %dma_start3A_62 = tpu.memref_squeeze %dma_start3A_61 : memref<1x20480xi32, #tpu.memory_space<hbm>> -> memref<20480xi32, #tpu.memory_space<hbm>>
      tpu.enqueue_dma source(%dma_start3A_62 : memref<20480xi32, #tpu.memory_space<hbm>>) target(%arg7 : memref<20480xi32, #tpu.memory_space<vmem>>) target_semaphore(%run_scoped3A : memref<!tpu.dma_semaphore, #tpu.memory_space<semaphore_mem>>)
      %dma_wait3A = tpu.memref_slice %arg3[%arg0, %mul3A_29] : memref<2x327680xi32, #tpu.memory_space<hbm>> -> memref<1x20480xi32, #tpu.memory_space<hbm>>
      %dma_wait3A_63 = tpu.memref_squeeze %dma_wait3A : memref<1x20480xi32, #tpu.memory_space<hbm>> -> memref<20480xi32, #tpu.memory_space<hbm>>
      %dma_wait3A_64 = tpu.memref_slice %arg3[%arg0, %mul3A_29] : memref<2x327680xi32, #tpu.memory_space<hbm>> -> memref<1x20480xi32, #tpu.memory_space<hbm>>
      %dma_wait3A_65 = tpu.memref_squeeze %dma_wait3A_64 : memref<1x20480xi32, #tpu.memory_space<hbm>> -> memref<20480xi32, #tpu.memory_space<hbm>>
      tpu.wait_dma2 semaphore(%run_scoped3A : memref<!tpu.dma_semaphore, #tpu.memory_space<semaphore_mem>>) src(%dma_wait3A_65 : memref<20480xi32, #tpu.memory_space<hbm>>) dst(%arg7 : memref<20480xi32, #tpu.memory_space<vmem>>)
      tpu.yield
    }) : () -> ()
    "tpu.region"() ({
      %run_scoped3A = tpu.sem_alloc : memref<!tpu.dma_semaphore, #tpu.memory_space<semaphore_mem>>
      %dma_start3A_59 = arith.constant 0 : i32
      %dma_start3A_60 = arith.constant 0 : i32
      %dma_start3A_61 = tpu.memref_slice %arg4[%arg1, %dma_start3A_59, %dma_start3A_60] : memref<16x160x128xi32, #tpu.memory_space<hbm>> -> memref<1x160x128xi32, #tpu.memory_space<hbm>>
      %dma_start3A_62 = tpu.memref_squeeze %dma_start3A_61 : memref<1x160x128xi32, #tpu.memory_space<hbm>> -> memref<160x128xi32, #tpu.memory_space<hbm>>
      %dma_start3A_63 = arith.constant 0 : i32
      %dma_start3A_64 = arith.constant 0 : i32
      %dma_start3A_65 = tpu.memref_slice %arg4[%arg1, %dma_start3A_63, %dma_start3A_64] : memref<16x160x128xi32, #tpu.memory_space<hbm>> -> memref<1x160x128xi32, #tpu.memory_space<hbm>>
      %dma_start3A_66 = tpu.memref_squeeze %dma_start3A_65 : memref<1x160x128xi32, #tpu.memory_space<hbm>> -> memref<160x128xi32, #tpu.memory_space<hbm>>
      tpu.enqueue_dma source(%dma_start3A_66 : memref<160x128xi32, #tpu.memory_space<hbm>>) target(%arg8 : memref<160x128xi32, #tpu.memory_space<vmem>>) target_semaphore(%run_scoped3A : memref<!tpu.dma_semaphore, #tpu.memory_space<semaphore_mem>>)
      %dma_wait3A = arith.constant 0 : i32
      %dma_wait3A_67 = arith.constant 0 : i32
      %dma_wait3A_68 = tpu.memref_slice %arg4[%arg1, %dma_wait3A, %dma_wait3A_67] : memref<16x160x128xi32, #tpu.memory_space<hbm>> -> memref<1x160x128xi32, #tpu.memory_space<hbm>>
      %dma_wait3A_69 = tpu.memref_squeeze %dma_wait3A_68 : memref<1x160x128xi32, #tpu.memory_space<hbm>> -> memref<160x128xi32, #tpu.memory_space<hbm>>
      %dma_wait3A_70 = arith.constant 0 : i32
      %dma_wait3A_71 = arith.constant 0 : i32
      %dma_wait3A_72 = tpu.memref_slice %arg4[%arg1, %dma_wait3A_70, %dma_wait3A_71] : memref<16x160x128xi32, #tpu.memory_space<hbm>> -> memref<1x160x128xi32, #tpu.memory_space<hbm>>
      %dma_wait3A_73 = tpu.memref_squeeze %dma_wait3A_72 : memref<1x160x128xi32, #tpu.memory_space<hbm>> -> memref<160x128xi32, #tpu.memory_space<hbm>>
      tpu.wait_dma2 semaphore(%run_scoped3A : memref<!tpu.dma_semaphore, #tpu.memory_space<semaphore_mem>>) src(%dma_wait3A_73 : memref<160x128xi32, #tpu.memory_space<hbm>>) dst(%arg8 : memref<160x128xi32, #tpu.memory_space<vmem>>)
      tpu.yield
    }) : () -> ()
    %barrier3A = arith.constant 0 : index
    tpu.barrier barrier_id(%barrier3A)
    %dma_start3A = arith.constant 0 : i32
    %dma_start3A_30 = tpu.memref_slice %arg7[%dma_start3A] : memref<20480xi32, #tpu.memory_space<vmem>> -> memref<128xi32, #tpu.memory_space<vmem>>
    %dma_start3A_31 = arith.constant 0 : i32
    %dma_start3A_32 = arith.constant 0 : i32
    %dma_start3A_33 = tpu.memref_slice %arg2[%dma_start3A_31, %dma_start3A_32] : memref<20016x64xf32, #tpu.memory_space<hbm>> -> memref<20016x64xf32, #tpu.memory_space<hbm>>
    tpu.enqueue_indirect_dma source(%dma_start3A_33 : memref<20016x64xf32, #tpu.memory_space<hbm>>) target(%arg9 : memref<128x64xf32, #tpu.memory_space<vmem>>) offsets(%dma_start3A_30 : memref<128xi32, #tpu.memory_space<vmem>>) semaphore(%arg13 : memref<!tpu.dma_semaphore, #tpu.memory_space<semaphore_mem>>)
    %dma_start3A_34 = arith.constant 128 : i32
    %dma_start3A_35 = tpu.memref_slice %arg7[%dma_start3A_34] : memref<20480xi32, #tpu.memory_space<vmem>> -> memref<128xi32, #tpu.memory_space<vmem>>
    %dma_start3A_36 = arith.constant 0 : i32
    %dma_start3A_37 = arith.constant 0 : i32
    %dma_start3A_38 = tpu.memref_slice %arg2[%dma_start3A_36, %dma_start3A_37] : memref<20016x64xf32, #tpu.memory_space<hbm>> -> memref<20016x64xf32, #tpu.memory_space<hbm>>
    tpu.enqueue_indirect_dma source(%dma_start3A_38 : memref<20016x64xf32, #tpu.memory_space<hbm>>) target(%arg10 : memref<128x64xf32, #tpu.memory_space<vmem>>) offsets(%dma_start3A_35 : memref<128xi32, #tpu.memory_space<vmem>>) semaphore(%arg14 : memref<!tpu.dma_semaphore, #tpu.memory_space<semaphore_mem>>)
    %dma_start3A_39 = arith.constant 256 : i32
    %dma_start3A_40 = tpu.memref_slice %arg7[%dma_start3A_39] : memref<20480xi32, #tpu.memory_space<vmem>> -> memref<128xi32, #tpu.memory_space<vmem>>
    %dma_start3A_41 = arith.constant 0 : i32
    %dma_start3A_42 = arith.constant 0 : i32
    %dma_start3A_43 = tpu.memref_slice %arg2[%dma_start3A_41, %dma_start3A_42] : memref<20016x64xf32, #tpu.memory_space<hbm>> -> memref<20016x64xf32, #tpu.memory_space<hbm>>
    tpu.enqueue_indirect_dma source(%dma_start3A_43 : memref<20016x64xf32, #tpu.memory_space<hbm>>) target(%arg11 : memref<128x64xf32, #tpu.memory_space<vmem>>) offsets(%dma_start3A_40 : memref<128xi32, #tpu.memory_space<vmem>>) semaphore(%arg15 : memref<!tpu.dma_semaphore, #tpu.memory_space<semaphore_mem>>)
    %dma_start3A_44 = arith.constant 384 : i32
    %dma_start3A_45 = tpu.memref_slice %arg7[%dma_start3A_44] : memref<20480xi32, #tpu.memory_space<vmem>> -> memref<128xi32, #tpu.memory_space<vmem>>
    %dma_start3A_46 = arith.constant 0 : i32
    %dma_start3A_47 = arith.constant 0 : i32
    %dma_start3A_48 = tpu.memref_slice %arg2[%dma_start3A_46, %dma_start3A_47] : memref<20016x64xf32, #tpu.memory_space<hbm>> -> memref<20016x64xf32, #tpu.memory_space<hbm>>
    tpu.enqueue_indirect_dma source(%dma_start3A_48 : memref<20016x64xf32, #tpu.memory_space<hbm>>) target(%arg12 : memref<128x64xf32, #tpu.memory_space<vmem>>) offsets(%dma_start3A_45 : memref<128xi32, #tpu.memory_space<vmem>>) semaphore(%arg16 : memref<!tpu.dma_semaphore, #tpu.memory_space<semaphore_mem>>)
    %scan3A = arith.constant 0 : i32
    %scan3A_49 = arith.constant 0 : i32
    %scan3A_50 = arith.constant 40 : i32
    %scan3A_51 = arith.addi %scan3A_49, %scan3A_50 : i32
    %scan3A_52 = arith.constant 1 : i32
    scf.for %scan3A_59 = %scan3A_49 to %scan3A_51 step %scan3A_52  : i32 {
      %mul3A_60 = arith.constant 4 : i32
      %mul3A_61 = arith.muli %mul3A_60, %scan3A_59 : i32
      %add3A_62 = arith.constant 0 : i32
      %add3A_63 = arith.addi %mul3A_61, %add3A_62 : i32
      %mul3A_64 = arith.constant 128 : i32
      %mul3A_65 = arith.muli %add3A_63, %mul3A_64 : i32
      %dma_wait3A = tpu.memref_slice %arg7[%mul3A_65] : memref<20480xi32, #tpu.memory_space<vmem>> -> memref<128xi32, #tpu.memory_space<vmem>>
      %dma_wait3A_66 = arith.constant 0 : i32
      %dma_wait3A_67 = arith.constant 0 : i32
      %dma_wait3A_68 = tpu.memref_slice %arg2[%dma_wait3A_66, %dma_wait3A_67] : memref<20016x64xf32, #tpu.memory_space<hbm>> -> memref<20016x64xf32, #tpu.memory_space<hbm>>
      tpu.wait_indirect_dma semaphore(%arg13 : memref<!tpu.dma_semaphore, #tpu.memory_space<semaphore_mem>>) src(%dma_wait3A_68 : memref<20016x64xf32, #tpu.memory_space<hbm>>) dst(%arg9 : memref<128x64xf32, #tpu.memory_space<vmem>>)
      "tpu.region"() ({
        %run_scoped3A = tpu.sem_alloc : memref<!tpu.dma_semaphore, #tpu.memory_space<semaphore_mem>>
        %dma_start3A_124 = arith.constant 0 : i32
        %dma_start3A_125 = tpu.memref_slice %arg8[%add3A_63, %dma_start3A_124] : memref<160x128xi32, #tpu.memory_space<vmem>> -> memref<1x128xi32, #tpu.memory_space<vmem>>
        %dma_start3A_126 = tpu.memref_squeeze %dma_start3A_125 : memref<1x128xi32, #tpu.memory_space<vmem>> -> memref<128xi32, #tpu.memory_space<vmem>>
        %dma_start3A_127 = arith.constant 0 : i32
        %dma_start3A_128 = arith.constant 0 : i32
        %dma_start3A_129 = tpu.memref_slice %arg17[%dma_start3A_127, %dma_start3A_128] : memref<10240x64xf32, #tpu.memory_space<vmem_shared>> -> memref<10240x64xf32, #tpu.memory_space<vmem_shared>>
        tpu.enqueue_indirect_dma source(%arg9 : memref<128x64xf32, #tpu.memory_space<vmem>>) target(%dma_start3A_129 : memref<10240x64xf32, #tpu.memory_space<vmem_shared>>) offsets(%dma_start3A_126 : memref<128xi32, #tpu.memory_space<vmem>>) semaphore(%run_scoped3A : memref<!tpu.dma_semaphore, #tpu.memory_space<semaphore_mem>>) {add = true}
        %dma_wait3A_130 = arith.constant 0 : i32
        %dma_wait3A_131 = tpu.memref_slice %arg8[%add3A_63, %dma_wait3A_130] : memref<160x128xi32, #tpu.memory_space<vmem>> -> memref<1x128xi32, #tpu.memory_space<vmem>>
        %dma_wait3A_132 = tpu.memref_squeeze %dma_wait3A_131 : memref<1x128xi32, #tpu.memory_space<vmem>> -> memref<128xi32, #tpu.memory_space<vmem>>
        %dma_wait3A_133 = arith.constant 0 : i32
        %dma_wait3A_134 = arith.constant 0 : i32
        %dma_wait3A_135 = tpu.memref_slice %arg17[%dma_wait3A_133, %dma_wait3A_134] : memref<10240x64xf32, #tpu.memory_space<vmem_shared>> -> memref<10240x64xf32, #tpu.memory_space<vmem_shared>>
        tpu.wait_indirect_dma semaphore(%run_scoped3A : memref<!tpu.dma_semaphore, #tpu.memory_space<semaphore_mem>>) src(%arg9 : memref<128x64xf32, #tpu.memory_space<vmem>>) dst(%dma_wait3A_135 : memref<10240x64xf32, #tpu.memory_space<vmem_shared>>)
        tpu.yield
      }) : () -> ()
      %add3A_69 = arith.constant 4 : i32
      %add3A_70 = arith.addi %add3A_63, %add3A_69 : i32
      %lt3A = arith.constant 160 : i32
      %lt3A_71 = arith.cmpi slt, %add3A_70, %lt3A : i32
      %convert_element_type3A = arith.extui %lt3A_71 : i1 to i32
      %cond3A = arith.constant 0 : i32
      %cond3A_72 = arith.cmpi ne, %convert_element_type3A, %cond3A : i32
      scf.if %cond3A_72 {
        %mul3A_124 = arith.constant 128 : i32
        %mul3A_125 = arith.muli %add3A_70, %mul3A_124 : i32
        %dma_start3A_126 = tpu.memref_slice %arg7[%mul3A_125] : memref<20480xi32, #tpu.memory_space<vmem>> -> memref<128xi32, #tpu.memory_space<vmem>>
        %dma_start3A_127 = arith.constant 0 : i32
        %dma_start3A_128 = arith.constant 0 : i32
        %dma_start3A_129 = tpu.memref_slice %arg2[%dma_start3A_127, %dma_start3A_128] : memref<20016x64xf32, #tpu.memory_space<hbm>> -> memref<20016x64xf32, #tpu.memory_space<hbm>>
        tpu.enqueue_indirect_dma source(%dma_start3A_129 : memref<20016x64xf32, #tpu.memory_space<hbm>>) target(%arg9 : memref<128x64xf32, #tpu.memory_space<vmem>>) offsets(%dma_start3A_126 : memref<128xi32, #tpu.memory_space<vmem>>) semaphore(%arg13 : memref<!tpu.dma_semaphore, #tpu.memory_space<semaphore_mem>>)
      } else {
      }
      %mul3A_73 = arith.constant 4 : i32
      %mul3A_74 = arith.muli %mul3A_73, %scan3A_59 : i32
      %add3A_75 = arith.constant 1 : i32
      %add3A_76 = arith.addi %mul3A_74, %add3A_75 : i32
      %mul3A_77 = arith.constant 128 : i32
      %mul3A_78 = arith.muli %add3A_76, %mul3A_77 : i32
      %dma_wait3A_79 = tpu.memref_slice %arg7[%mul3A_78] : memref<20480xi32, #tpu.memory_space<vmem>> -> memref<128xi32, #tpu.memory_space<vmem>>
      %dma_wait3A_80 = arith.constant 0 : i32
      %dma_wait3A_81 = arith.constant 0 : i32
      %dma_wait3A_82 = tpu.memref_slice %arg2[%dma_wait3A_80, %dma_wait3A_81] : memref<20016x64xf32, #tpu.memory_space<hbm>> -> memref<20016x64xf32, #tpu.memory_space<hbm>>
      tpu.wait_indirect_dma semaphore(%arg14 : memref<!tpu.dma_semaphore, #tpu.memory_space<semaphore_mem>>) src(%dma_wait3A_82 : memref<20016x64xf32, #tpu.memory_space<hbm>>) dst(%arg10 : memref<128x64xf32, #tpu.memory_space<vmem>>)
      "tpu.region"() ({
        %run_scoped3A = tpu.sem_alloc : memref<!tpu.dma_semaphore, #tpu.memory_space<semaphore_mem>>
        %dma_start3A_124 = arith.constant 0 : i32
        %dma_start3A_125 = tpu.memref_slice %arg8[%add3A_76, %dma_start3A_124] : memref<160x128xi32, #tpu.memory_space<vmem>> -> memref<1x128xi32, #tpu.memory_space<vmem>>
        %dma_start3A_126 = tpu.memref_squeeze %dma_start3A_125 : memref<1x128xi32, #tpu.memory_space<vmem>> -> memref<128xi32, #tpu.memory_space<vmem>>
        %dma_start3A_127 = arith.constant 0 : i32
        %dma_start3A_128 = arith.constant 0 : i32
        %dma_start3A_129 = tpu.memref_slice %arg17[%dma_start3A_127, %dma_start3A_128] : memref<10240x64xf32, #tpu.memory_space<vmem_shared>> -> memref<10240x64xf32, #tpu.memory_space<vmem_shared>>
        tpu.enqueue_indirect_dma source(%arg10 : memref<128x64xf32, #tpu.memory_space<vmem>>) target(%dma_start3A_129 : memref<10240x64xf32, #tpu.memory_space<vmem_shared>>) offsets(%dma_start3A_126 : memref<128xi32, #tpu.memory_space<vmem>>) semaphore(%run_scoped3A : memref<!tpu.dma_semaphore, #tpu.memory_space<semaphore_mem>>) {add = true}
        %dma_wait3A_130 = arith.constant 0 : i32
        %dma_wait3A_131 = tpu.memref_slice %arg8[%add3A_76, %dma_wait3A_130] : memref<160x128xi32, #tpu.memory_space<vmem>> -> memref<1x128xi32, #tpu.memory_space<vmem>>
        %dma_wait3A_132 = tpu.memref_squeeze %dma_wait3A_131 : memref<1x128xi32, #tpu.memory_space<vmem>> -> memref<128xi32, #tpu.memory_space<vmem>>
        %dma_wait3A_133 = arith.constant 0 : i32
        %dma_wait3A_134 = arith.constant 0 : i32
        %dma_wait3A_135 = tpu.memref_slice %arg17[%dma_wait3A_133, %dma_wait3A_134] : memref<10240x64xf32, #tpu.memory_space<vmem_shared>> -> memref<10240x64xf32, #tpu.memory_space<vmem_shared>>
        tpu.wait_indirect_dma semaphore(%run_scoped3A : memref<!tpu.dma_semaphore, #tpu.memory_space<semaphore_mem>>) src(%arg10 : memref<128x64xf32, #tpu.memory_space<vmem>>) dst(%dma_wait3A_135 : memref<10240x64xf32, #tpu.memory_space<vmem_shared>>)
        tpu.yield
      }) : () -> ()
      %add3A_83 = arith.constant 4 : i32
      %add3A_84 = arith.addi %add3A_76, %add3A_83 : i32
      %lt3A_85 = arith.constant 160 : i32
      %lt3A_86 = arith.cmpi slt, %add3A_84, %lt3A_85 : i32
      %convert_element_type3A_87 = arith.extui %lt3A_86 : i1 to i32
      %cond3A_88 = arith.constant 0 : i32
      %cond3A_89 = arith.cmpi ne, %convert_element_type3A_87, %cond3A_88 : i32
      scf.if %cond3A_89 {
        %mul3A_124 = arith.constant 128 : i32
        %mul3A_125 = arith.muli %add3A_84, %mul3A_124 : i32
        %dma_start3A_126 = tpu.memref_slice %arg7[%mul3A_125] : memref<20480xi32, #tpu.memory_space<vmem>> -> memref<128xi32, #tpu.memory_space<vmem>>
        %dma_start3A_127 = arith.constant 0 : i32
        %dma_start3A_128 = arith.constant 0 : i32
        %dma_start3A_129 = tpu.memref_slice %arg2[%dma_start3A_127, %dma_start3A_128] : memref<20016x64xf32, #tpu.memory_space<hbm>> -> memref<20016x64xf32, #tpu.memory_space<hbm>>
        tpu.enqueue_indirect_dma source(%dma_start3A_129 : memref<20016x64xf32, #tpu.memory_space<hbm>>) target(%arg10 : memref<128x64xf32, #tpu.memory_space<vmem>>) offsets(%dma_start3A_126 : memref<128xi32, #tpu.memory_space<vmem>>) semaphore(%arg14 : memref<!tpu.dma_semaphore, #tpu.memory_space<semaphore_mem>>)
      } else {
      }
      %mul3A_90 = arith.constant 4 : i32
      %mul3A_91 = arith.muli %mul3A_90, %scan3A_59 : i32
      %add3A_92 = arith.constant 2 : i32
      %add3A_93 = arith.addi %mul3A_91, %add3A_92 : i32
      %mul3A_94 = arith.constant 128 : i32
      %mul3A_95 = arith.muli %add3A_93, %mul3A_94 : i32
      %dma_wait3A_96 = tpu.memref_slice %arg7[%mul3A_95] : memref<20480xi32, #tpu.memory_space<vmem>> -> memref<128xi32, #tpu.memory_space<vmem>>
      %dma_wait3A_97 = arith.constant 0 : i32
      %dma_wait3A_98 = arith.constant 0 : i32
      %dma_wait3A_99 = tpu.memref_slice %arg2[%dma_wait3A_97, %dma_wait3A_98] : memref<20016x64xf32, #tpu.memory_space<hbm>> -> memref<20016x64xf32, #tpu.memory_space<hbm>>
      tpu.wait_indirect_dma semaphore(%arg15 : memref<!tpu.dma_semaphore, #tpu.memory_space<semaphore_mem>>) src(%dma_wait3A_99 : memref<20016x64xf32, #tpu.memory_space<hbm>>) dst(%arg11 : memref<128x64xf32, #tpu.memory_space<vmem>>)
      "tpu.region"() ({
        %run_scoped3A = tpu.sem_alloc : memref<!tpu.dma_semaphore, #tpu.memory_space<semaphore_mem>>
        %dma_start3A_124 = arith.constant 0 : i32
        %dma_start3A_125 = tpu.memref_slice %arg8[%add3A_93, %dma_start3A_124] : memref<160x128xi32, #tpu.memory_space<vmem>> -> memref<1x128xi32, #tpu.memory_space<vmem>>
        %dma_start3A_126 = tpu.memref_squeeze %dma_start3A_125 : memref<1x128xi32, #tpu.memory_space<vmem>> -> memref<128xi32, #tpu.memory_space<vmem>>
        %dma_start3A_127 = arith.constant 0 : i32
        %dma_start3A_128 = arith.constant 0 : i32
        %dma_start3A_129 = tpu.memref_slice %arg17[%dma_start3A_127, %dma_start3A_128] : memref<10240x64xf32, #tpu.memory_space<vmem_shared>> -> memref<10240x64xf32, #tpu.memory_space<vmem_shared>>
        tpu.enqueue_indirect_dma source(%arg11 : memref<128x64xf32, #tpu.memory_space<vmem>>) target(%dma_start3A_129 : memref<10240x64xf32, #tpu.memory_space<vmem_shared>>) offsets(%dma_start3A_126 : memref<128xi32, #tpu.memory_space<vmem>>) semaphore(%run_scoped3A : memref<!tpu.dma_semaphore, #tpu.memory_space<semaphore_mem>>) {add = true}
        %dma_wait3A_130 = arith.constant 0 : i32
        %dma_wait3A_131 = tpu.memref_slice %arg8[%add3A_93, %dma_wait3A_130] : memref<160x128xi32, #tpu.memory_space<vmem>> -> memref<1x128xi32, #tpu.memory_space<vmem>>
        %dma_wait3A_132 = tpu.memref_squeeze %dma_wait3A_131 : memref<1x128xi32, #tpu.memory_space<vmem>> -> memref<128xi32, #tpu.memory_space<vmem>>
        %dma_wait3A_133 = arith.constant 0 : i32
        %dma_wait3A_134 = arith.constant 0 : i32
        %dma_wait3A_135 = tpu.memref_slice %arg17[%dma_wait3A_133, %dma_wait3A_134] : memref<10240x64xf32, #tpu.memory_space<vmem_shared>> -> memref<10240x64xf32, #tpu.memory_space<vmem_shared>>
        tpu.wait_indirect_dma semaphore(%run_scoped3A : memref<!tpu.dma_semaphore, #tpu.memory_space<semaphore_mem>>) src(%arg11 : memref<128x64xf32, #tpu.memory_space<vmem>>) dst(%dma_wait3A_135 : memref<10240x64xf32, #tpu.memory_space<vmem_shared>>)
        tpu.yield
      }) : () -> ()
      %add3A_100 = arith.constant 4 : i32
      %add3A_101 = arith.addi %add3A_93, %add3A_100 : i32
      %lt3A_102 = arith.constant 160 : i32
      %lt3A_103 = arith.cmpi slt, %add3A_101, %lt3A_102 : i32
      %convert_element_type3A_104 = arith.extui %lt3A_103 : i1 to i32
      %cond3A_105 = arith.constant 0 : i32
      %cond3A_106 = arith.cmpi ne, %convert_element_type3A_104, %cond3A_105 : i32
      scf.if %cond3A_106 {
        %mul3A_124 = arith.constant 128 : i32
        %mul3A_125 = arith.muli %add3A_101, %mul3A_124 : i32
        %dma_start3A_126 = tpu.memref_slice %arg7[%mul3A_125] : memref<20480xi32, #tpu.memory_space<vmem>> -> memref<128xi32, #tpu.memory_space<vmem>>
        %dma_start3A_127 = arith.constant 0 : i32
        %dma_start3A_128 = arith.constant 0 : i32
        %dma_start3A_129 = tpu.memref_slice %arg2[%dma_start3A_127, %dma_start3A_128] : memref<20016x64xf32, #tpu.memory_space<hbm>> -> memref<20016x64xf32, #tpu.memory_space<hbm>>
        tpu.enqueue_indirect_dma source(%dma_start3A_129 : memref<20016x64xf32, #tpu.memory_space<hbm>>) target(%arg11 : memref<128x64xf32, #tpu.memory_space<vmem>>) offsets(%dma_start3A_126 : memref<128xi32, #tpu.memory_space<vmem>>) semaphore(%arg15 : memref<!tpu.dma_semaphore, #tpu.memory_space<semaphore_mem>>)
      } else {
      }
      %mul3A_107 = arith.constant 4 : i32
      %mul3A_108 = arith.muli %mul3A_107, %scan3A_59 : i32
      %add3A_109 = arith.constant 3 : i32
      %add3A_110 = arith.addi %mul3A_108, %add3A_109 : i32
      %mul3A_111 = arith.constant 128 : i32
      %mul3A_112 = arith.muli %add3A_110, %mul3A_111 : i32
      %dma_wait3A_113 = tpu.memref_slice %arg7[%mul3A_112] : memref<20480xi32, #tpu.memory_space<vmem>> -> memref<128xi32, #tpu.memory_space<vmem>>
      %dma_wait3A_114 = arith.constant 0 : i32
      %dma_wait3A_115 = arith.constant 0 : i32
      %dma_wait3A_116 = tpu.memref_slice %arg2[%dma_wait3A_114, %dma_wait3A_115] : memref<20016x64xf32, #tpu.memory_space<hbm>> -> memref<20016x64xf32, #tpu.memory_space<hbm>>
      tpu.wait_indirect_dma semaphore(%arg16 : memref<!tpu.dma_semaphore, #tpu.memory_space<semaphore_mem>>) src(%dma_wait3A_116 : memref<20016x64xf32, #tpu.memory_space<hbm>>) dst(%arg12 : memref<128x64xf32, #tpu.memory_space<vmem>>)
      "tpu.region"() ({
        %run_scoped3A = tpu.sem_alloc : memref<!tpu.dma_semaphore, #tpu.memory_space<semaphore_mem>>
        %dma_start3A_124 = arith.constant 0 : i32
        %dma_start3A_125 = tpu.memref_slice %arg8[%add3A_110, %dma_start3A_124] : memref<160x128xi32, #tpu.memory_space<vmem>> -> memref<1x128xi32, #tpu.memory_space<vmem>>
        %dma_start3A_126 = tpu.memref_squeeze %dma_start3A_125 : memref<1x128xi32, #tpu.memory_space<vmem>> -> memref<128xi32, #tpu.memory_space<vmem>>
        %dma_start3A_127 = arith.constant 0 : i32
        %dma_start3A_128 = arith.constant 0 : i32
        %dma_start3A_129 = tpu.memref_slice %arg17[%dma_start3A_127, %dma_start3A_128] : memref<10240x64xf32, #tpu.memory_space<vmem_shared>> -> memref<10240x64xf32, #tpu.memory_space<vmem_shared>>
        tpu.enqueue_indirect_dma source(%arg12 : memref<128x64xf32, #tpu.memory_space<vmem>>) target(%dma_start3A_129 : memref<10240x64xf32, #tpu.memory_space<vmem_shared>>) offsets(%dma_start3A_126 : memref<128xi32, #tpu.memory_space<vmem>>) semaphore(%run_scoped3A : memref<!tpu.dma_semaphore, #tpu.memory_space<semaphore_mem>>) {add = true}
        %dma_wait3A_130 = arith.constant 0 : i32
        %dma_wait3A_131 = tpu.memref_slice %arg8[%add3A_110, %dma_wait3A_130] : memref<160x128xi32, #tpu.memory_space<vmem>> -> memref<1x128xi32, #tpu.memory_space<vmem>>
        %dma_wait3A_132 = tpu.memref_squeeze %dma_wait3A_131 : memref<1x128xi32, #tpu.memory_space<vmem>> -> memref<128xi32, #tpu.memory_space<vmem>>
        %dma_wait3A_133 = arith.constant 0 : i32
        %dma_wait3A_134 = arith.constant 0 : i32
        %dma_wait3A_135 = tpu.memref_slice %arg17[%dma_wait3A_133, %dma_wait3A_134] : memref<10240x64xf32, #tpu.memory_space<vmem_shared>> -> memref<10240x64xf32, #tpu.memory_space<vmem_shared>>
        tpu.wait_indirect_dma semaphore(%run_scoped3A : memref<!tpu.dma_semaphore, #tpu.memory_space<semaphore_mem>>) src(%arg12 : memref<128x64xf32, #tpu.memory_space<vmem>>) dst(%dma_wait3A_135 : memref<10240x64xf32, #tpu.memory_space<vmem_shared>>)
        tpu.yield
      }) : () -> ()
      %add3A_117 = arith.constant 4 : i32
      %add3A_118 = arith.addi %add3A_110, %add3A_117 : i32
      %lt3A_119 = arith.constant 160 : i32
      %lt3A_120 = arith.cmpi slt, %add3A_118, %lt3A_119 : i32
      %convert_element_type3A_121 = arith.extui %lt3A_120 : i1 to i32
      %cond3A_122 = arith.constant 0 : i32
      %cond3A_123 = arith.cmpi ne, %convert_element_type3A_121, %cond3A_122 : i32
      scf.if %cond3A_123 {
        %mul3A_124 = arith.constant 128 : i32
        %mul3A_125 = arith.muli %add3A_118, %mul3A_124 : i32
        %dma_start3A_126 = tpu.memref_slice %arg7[%mul3A_125] : memref<20480xi32, #tpu.memory_space<vmem>> -> memref<128xi32, #tpu.memory_space<vmem>>
        %dma_start3A_127 = arith.constant 0 : i32
        %dma_start3A_128 = arith.constant 0 : i32
        %dma_start3A_129 = tpu.memref_slice %arg2[%dma_start3A_127, %dma_start3A_128] : memref<20016x64xf32, #tpu.memory_space<hbm>> -> memref<20016x64xf32, #tpu.memory_space<hbm>>
        tpu.enqueue_indirect_dma source(%dma_start3A_129 : memref<20016x64xf32, #tpu.memory_space<hbm>>) target(%arg12 : memref<128x64xf32, #tpu.memory_space<vmem>>) offsets(%dma_start3A_126 : memref<128xi32, #tpu.memory_space<vmem>>) semaphore(%arg16 : memref<!tpu.dma_semaphore, #tpu.memory_space<semaphore_mem>>)
      } else {
      }
    }
    %scan3A_53 = arith.constant 40 : i32
    %barrier3A_54 = arith.constant 0 : index
    tpu.barrier barrier_id(%barrier3A_54)
    %mul3A_55 = arith.constant 640 : i32
    %mul3A_56 = arith.muli %arg1, %mul3A_55 : i32
    %mul3A_57 = arith.constant 640 : i32
    %mul3A_58 = arith.muli %arg1, %mul3A_57 : i32
    "tpu.region"() ({
      %run_scoped3A = tpu.sem_alloc : memref<!tpu.dma_semaphore, #tpu.memory_space<semaphore_mem>>
      %dma_start3A_59 = arith.constant 0 : i32
      %dma_start3A_60 = tpu.memref_slice %arg6[%arg0, %mul3A_58, %dma_start3A_59] : memref<2x10240x64xf32, #tpu.memory_space<hbm>> -> memref<1x640x64xf32, #tpu.memory_space<hbm>>
      %dma_start3A_61 = tpu.memref_squeeze %dma_start3A_60 : memref<1x640x64xf32, #tpu.memory_space<hbm>> -> memref<640x64xf32, #tpu.memory_space<hbm>>
      %dma_start3A_62 = arith.constant 0 : i32
      %dma_start3A_63 = tpu.memref_slice %arg17[%mul3A_56, %dma_start3A_62] : memref<10240x64xf32, #tpu.memory_space<vmem_shared>> -> memref<640x64xf32, #tpu.memory_space<vmem_shared>>
      tpu.enqueue_dma source(%dma_start3A_63 : memref<640x64xf32, #tpu.memory_space<vmem_shared>>) target(%dma_start3A_61 : memref<640x64xf32, #tpu.memory_space<hbm>>) target_semaphore(%run_scoped3A : memref<!tpu.dma_semaphore, #tpu.memory_space<semaphore_mem>>)
      %dma_wait3A = arith.constant 0 : i32
      %dma_wait3A_64 = tpu.memref_slice %arg6[%arg0, %mul3A_58, %dma_wait3A] : memref<2x10240x64xf32, #tpu.memory_space<hbm>> -> memref<1x640x64xf32, #tpu.memory_space<hbm>>
      %dma_wait3A_65 = tpu.memref_squeeze %dma_wait3A_64 : memref<1x640x64xf32, #tpu.memory_space<hbm>> -> memref<640x64xf32, #tpu.memory_space<hbm>>
      %dma_wait3A_66 = arith.constant 0 : i32
      %dma_wait3A_67 = tpu.memref_slice %arg17[%mul3A_56, %dma_wait3A_66] : memref<10240x64xf32, #tpu.memory_space<vmem_shared>> -> memref<640x64xf32, #tpu.memory_space<vmem_shared>>
      tpu.wait_dma2 semaphore(%run_scoped3A : memref<!tpu.dma_semaphore, #tpu.memory_space<semaphore_mem>>) src(%dma_wait3A_67 : memref<640x64xf32, #tpu.memory_space<vmem_shared>>) dst(%dma_wait3A_65 : memref<640x64xf32, #tpu.memory_space<hbm>>)
      tpu.yield
    }) : () -> ()
    return
  }
}

#map = affine_map<(d0, d1) -> (0, 0, 0)>
#map1 = affine_map<(d0, d1) -> (0, 0)>
module attributes {stable_mosaic.version = 14 : i64} {
  func.func @deg_kernel(%arg0: i32, %arg1: i32, %arg2: memref<32x80x128xi32, #tpu.memory_space<hbm>>, %arg3: memref<128x16xf32, #tpu.memory_space<hbm>>, %arg4: memref<128x16xf32, #tpu.memory_space<hbm>>, %arg5: memref<2x10240x16xf32, #tpu.memory_space<hbm>>, %arg6: memref<80x128xi32, #tpu.memory_space<vmem>>, %arg7: memref<128x16xf32, #tpu.memory_space<vmem>>, %arg8: memref<10240x16xf32, #tpu.memory_space<vmem_shared>>, %arg9: memref<!tpu.dma_semaphore, #tpu.memory_space<semaphore_mem>>) attributes {dimension_semantics = [#tpu.dimension_semantics<core_parallel>, #tpu.dimension_semantics<subcore_parallel>], iteration_bounds = array<i64: 2, 16>, scalar_prefetch = 0 : i64, scratch_operands = 4 : i64, tpu.core_type = #tpu.core_type<sc_vector_subcore>, window_params = [{transform_indices = #map}, {transform_indices = #map1}, {transform_indices = #map1}, {transform_indices = #map}]} {
    %mul3A = arith.constant 2 : i32
    %mul3A_0 = arith.muli %arg1, %mul3A : i32
    %add3A = arith.addi %mul3A_0, %arg0 : i32
    "tpu.region"() ({
      %run_scoped3A = tpu.sem_alloc : memref<!tpu.dma_semaphore, #tpu.memory_space<semaphore_mem>>
      tpu.enqueue_dma source(%arg3 : memref<128x16xf32, #tpu.memory_space<hbm>>) target(%arg7 : memref<128x16xf32, #tpu.memory_space<vmem>>) target_semaphore(%run_scoped3A : memref<!tpu.dma_semaphore, #tpu.memory_space<semaphore_mem>>)
      tpu.wait_dma2 semaphore(%run_scoped3A : memref<!tpu.dma_semaphore, #tpu.memory_space<semaphore_mem>>) src(%arg3 : memref<128x16xf32, #tpu.memory_space<hbm>>) dst(%arg7 : memref<128x16xf32, #tpu.memory_space<vmem>>)
      tpu.yield
    }) : () -> ()
    %mul3A_1 = arith.constant 5 : i32
    %mul3A_2 = arith.muli %arg1, %mul3A_1 : i32
    %add3A_3 = arith.constant 0 : i32
    %add3A_4 = arith.addi %mul3A_2, %add3A_3 : i32
    %mul3A_5 = arith.constant 128 : i32
    %mul3A_6 = arith.muli %add3A_4, %mul3A_5 : i32
    "tpu.region"() ({
      %run_scoped3A = tpu.sem_alloc : memref<!tpu.dma_semaphore, #tpu.memory_space<semaphore_mem>>
      %dma_start3A = arith.constant 0 : i32
      %dma_start3A_41 = tpu.memref_slice %arg8[%mul3A_6, %dma_start3A] : memref<10240x16xf32, #tpu.memory_space<vmem_shared>> -> memref<128x16xf32, #tpu.memory_space<vmem_shared>>
      %dma_start3A_42 = arith.constant 0 : i32
      %dma_start3A_43 = tpu.memref_slice %arg8[%mul3A_6, %dma_start3A_42] : memref<10240x16xf32, #tpu.memory_space<vmem_shared>> -> memref<128x16xf32, #tpu.memory_space<vmem_shared>>
      tpu.enqueue_dma source(%arg7 : memref<128x16xf32, #tpu.memory_space<vmem>>) target(%dma_start3A_43 : memref<128x16xf32, #tpu.memory_space<vmem_shared>>) target_semaphore(%run_scoped3A : memref<!tpu.dma_semaphore, #tpu.memory_space<semaphore_mem>>)
      %dma_wait3A = arith.constant 0 : i32
      %dma_wait3A_44 = tpu.memref_slice %arg8[%mul3A_6, %dma_wait3A] : memref<10240x16xf32, #tpu.memory_space<vmem_shared>> -> memref<128x16xf32, #tpu.memory_space<vmem_shared>>
      %dma_wait3A_45 = arith.constant 0 : i32
      %dma_wait3A_46 = tpu.memref_slice %arg8[%mul3A_6, %dma_wait3A_45] : memref<10240x16xf32, #tpu.memory_space<vmem_shared>> -> memref<128x16xf32, #tpu.memory_space<vmem_shared>>
      tpu.wait_dma2 semaphore(%run_scoped3A : memref<!tpu.dma_semaphore, #tpu.memory_space<semaphore_mem>>) src(%arg7 : memref<128x16xf32, #tpu.memory_space<vmem>>) dst(%dma_wait3A_46 : memref<128x16xf32, #tpu.memory_space<vmem_shared>>)
      tpu.yield
    }) : () -> ()
    %mul3A_7 = arith.constant 5 : i32
    %mul3A_8 = arith.muli %arg1, %mul3A_7 : i32
    %add3A_9 = arith.constant 1 : i32
    %add3A_10 = arith.addi %mul3A_8, %add3A_9 : i32
    %mul3A_11 = arith.constant 128 : i32
    %mul3A_12 = arith.muli %add3A_10, %mul3A_11 : i32
    "tpu.region"() ({
      %run_scoped3A = tpu.sem_alloc : memref<!tpu.dma_semaphore, #tpu.memory_space<semaphore_mem>>
      %dma_start3A = arith.constant 0 : i32
      %dma_start3A_41 = tpu.memref_slice %arg8[%mul3A_12, %dma_start3A] : memref<10240x16xf32, #tpu.memory_space<vmem_shared>> -> memref<128x16xf32, #tpu.memory_space<vmem_shared>>
      %dma_start3A_42 = arith.constant 0 : i32
      %dma_start3A_43 = tpu.memref_slice %arg8[%mul3A_12, %dma_start3A_42] : memref<10240x16xf32, #tpu.memory_space<vmem_shared>> -> memref<128x16xf32, #tpu.memory_space<vmem_shared>>
      tpu.enqueue_dma source(%arg7 : memref<128x16xf32, #tpu.memory_space<vmem>>) target(%dma_start3A_43 : memref<128x16xf32, #tpu.memory_space<vmem_shared>>) target_semaphore(%run_scoped3A : memref<!tpu.dma_semaphore, #tpu.memory_space<semaphore_mem>>)
      %dma_wait3A = arith.constant 0 : i32
      %dma_wait3A_44 = tpu.memref_slice %arg8[%mul3A_12, %dma_wait3A] : memref<10240x16xf32, #tpu.memory_space<vmem_shared>> -> memref<128x16xf32, #tpu.memory_space<vmem_shared>>
      %dma_wait3A_45 = arith.constant 0 : i32
      %dma_wait3A_46 = tpu.memref_slice %arg8[%mul3A_12, %dma_wait3A_45] : memref<10240x16xf32, #tpu.memory_space<vmem_shared>> -> memref<128x16xf32, #tpu.memory_space<vmem_shared>>
      tpu.wait_dma2 semaphore(%run_scoped3A : memref<!tpu.dma_semaphore, #tpu.memory_space<semaphore_mem>>) src(%arg7 : memref<128x16xf32, #tpu.memory_space<vmem>>) dst(%dma_wait3A_46 : memref<128x16xf32, #tpu.memory_space<vmem_shared>>)
      tpu.yield
    }) : () -> ()
    %mul3A_13 = arith.constant 5 : i32
    %mul3A_14 = arith.muli %arg1, %mul3A_13 : i32
    %add3A_15 = arith.constant 2 : i32
    %add3A_16 = arith.addi %mul3A_14, %add3A_15 : i32
    %mul3A_17 = arith.constant 128 : i32
    %mul3A_18 = arith.muli %add3A_16, %mul3A_17 : i32
    "tpu.region"() ({
      %run_scoped3A = tpu.sem_alloc : memref<!tpu.dma_semaphore, #tpu.memory_space<semaphore_mem>>
      %dma_start3A = arith.constant 0 : i32
      %dma_start3A_41 = tpu.memref_slice %arg8[%mul3A_18, %dma_start3A] : memref<10240x16xf32, #tpu.memory_space<vmem_shared>> -> memref<128x16xf32, #tpu.memory_space<vmem_shared>>
      %dma_start3A_42 = arith.constant 0 : i32
      %dma_start3A_43 = tpu.memref_slice %arg8[%mul3A_18, %dma_start3A_42] : memref<10240x16xf32, #tpu.memory_space<vmem_shared>> -> memref<128x16xf32, #tpu.memory_space<vmem_shared>>
      tpu.enqueue_dma source(%arg7 : memref<128x16xf32, #tpu.memory_space<vmem>>) target(%dma_start3A_43 : memref<128x16xf32, #tpu.memory_space<vmem_shared>>) target_semaphore(%run_scoped3A : memref<!tpu.dma_semaphore, #tpu.memory_space<semaphore_mem>>)
      %dma_wait3A = arith.constant 0 : i32
      %dma_wait3A_44 = tpu.memref_slice %arg8[%mul3A_18, %dma_wait3A] : memref<10240x16xf32, #tpu.memory_space<vmem_shared>> -> memref<128x16xf32, #tpu.memory_space<vmem_shared>>
      %dma_wait3A_45 = arith.constant 0 : i32
      %dma_wait3A_46 = tpu.memref_slice %arg8[%mul3A_18, %dma_wait3A_45] : memref<10240x16xf32, #tpu.memory_space<vmem_shared>> -> memref<128x16xf32, #tpu.memory_space<vmem_shared>>
      tpu.wait_dma2 semaphore(%run_scoped3A : memref<!tpu.dma_semaphore, #tpu.memory_space<semaphore_mem>>) src(%arg7 : memref<128x16xf32, #tpu.memory_space<vmem>>) dst(%dma_wait3A_46 : memref<128x16xf32, #tpu.memory_space<vmem_shared>>)
      tpu.yield
    }) : () -> ()
    %mul3A_19 = arith.constant 5 : i32
    %mul3A_20 = arith.muli %arg1, %mul3A_19 : i32
    %add3A_21 = arith.constant 3 : i32
    %add3A_22 = arith.addi %mul3A_20, %add3A_21 : i32
    %mul3A_23 = arith.constant 128 : i32
    %mul3A_24 = arith.muli %add3A_22, %mul3A_23 : i32
    "tpu.region"() ({
      %run_scoped3A = tpu.sem_alloc : memref<!tpu.dma_semaphore, #tpu.memory_space<semaphore_mem>>
      %dma_start3A = arith.constant 0 : i32
      %dma_start3A_41 = tpu.memref_slice %arg8[%mul3A_24, %dma_start3A] : memref<10240x16xf32, #tpu.memory_space<vmem_shared>> -> memref<128x16xf32, #tpu.memory_space<vmem_shared>>
      %dma_start3A_42 = arith.constant 0 : i32
      %dma_start3A_43 = tpu.memref_slice %arg8[%mul3A_24, %dma_start3A_42] : memref<10240x16xf32, #tpu.memory_space<vmem_shared>> -> memref<128x16xf32, #tpu.memory_space<vmem_shared>>
      tpu.enqueue_dma source(%arg7 : memref<128x16xf32, #tpu.memory_space<vmem>>) target(%dma_start3A_43 : memref<128x16xf32, #tpu.memory_space<vmem_shared>>) target_semaphore(%run_scoped3A : memref<!tpu.dma_semaphore, #tpu.memory_space<semaphore_mem>>)
      %dma_wait3A = arith.constant 0 : i32
      %dma_wait3A_44 = tpu.memref_slice %arg8[%mul3A_24, %dma_wait3A] : memref<10240x16xf32, #tpu.memory_space<vmem_shared>> -> memref<128x16xf32, #tpu.memory_space<vmem_shared>>
      %dma_wait3A_45 = arith.constant 0 : i32
      %dma_wait3A_46 = tpu.memref_slice %arg8[%mul3A_24, %dma_wait3A_45] : memref<10240x16xf32, #tpu.memory_space<vmem_shared>> -> memref<128x16xf32, #tpu.memory_space<vmem_shared>>
      tpu.wait_dma2 semaphore(%run_scoped3A : memref<!tpu.dma_semaphore, #tpu.memory_space<semaphore_mem>>) src(%arg7 : memref<128x16xf32, #tpu.memory_space<vmem>>) dst(%dma_wait3A_46 : memref<128x16xf32, #tpu.memory_space<vmem_shared>>)
      tpu.yield
    }) : () -> ()
    %mul3A_25 = arith.constant 5 : i32
    %mul3A_26 = arith.muli %arg1, %mul3A_25 : i32
    %add3A_27 = arith.constant 4 : i32
    %add3A_28 = arith.addi %mul3A_26, %add3A_27 : i32
    %mul3A_29 = arith.constant 128 : i32
    %mul3A_30 = arith.muli %add3A_28, %mul3A_29 : i32
    "tpu.region"() ({
      %run_scoped3A = tpu.sem_alloc : memref<!tpu.dma_semaphore, #tpu.memory_space<semaphore_mem>>
      %dma_start3A = arith.constant 0 : i32
      %dma_start3A_41 = tpu.memref_slice %arg8[%mul3A_30, %dma_start3A] : memref<10240x16xf32, #tpu.memory_space<vmem_shared>> -> memref<128x16xf32, #tpu.memory_space<vmem_shared>>
      %dma_start3A_42 = arith.constant 0 : i32
      %dma_start3A_43 = tpu.memref_slice %arg8[%mul3A_30, %dma_start3A_42] : memref<10240x16xf32, #tpu.memory_space<vmem_shared>> -> memref<128x16xf32, #tpu.memory_space<vmem_shared>>
      tpu.enqueue_dma source(%arg7 : memref<128x16xf32, #tpu.memory_space<vmem>>) target(%dma_start3A_43 : memref<128x16xf32, #tpu.memory_space<vmem_shared>>) target_semaphore(%run_scoped3A : memref<!tpu.dma_semaphore, #tpu.memory_space<semaphore_mem>>)
      %dma_wait3A = arith.constant 0 : i32
      %dma_wait3A_44 = tpu.memref_slice %arg8[%mul3A_30, %dma_wait3A] : memref<10240x16xf32, #tpu.memory_space<vmem_shared>> -> memref<128x16xf32, #tpu.memory_space<vmem_shared>>
      %dma_wait3A_45 = arith.constant 0 : i32
      %dma_wait3A_46 = tpu.memref_slice %arg8[%mul3A_30, %dma_wait3A_45] : memref<10240x16xf32, #tpu.memory_space<vmem_shared>> -> memref<128x16xf32, #tpu.memory_space<vmem_shared>>
      tpu.wait_dma2 semaphore(%run_scoped3A : memref<!tpu.dma_semaphore, #tpu.memory_space<semaphore_mem>>) src(%arg7 : memref<128x16xf32, #tpu.memory_space<vmem>>) dst(%dma_wait3A_46 : memref<128x16xf32, #tpu.memory_space<vmem_shared>>)
      tpu.yield
    }) : () -> ()
    "tpu.region"() ({
      %run_scoped3A = tpu.sem_alloc : memref<!tpu.dma_semaphore, #tpu.memory_space<semaphore_mem>>
      tpu.enqueue_dma source(%arg4 : memref<128x16xf32, #tpu.memory_space<hbm>>) target(%arg7 : memref<128x16xf32, #tpu.memory_space<vmem>>) target_semaphore(%run_scoped3A : memref<!tpu.dma_semaphore, #tpu.memory_space<semaphore_mem>>)
      tpu.wait_dma2 semaphore(%run_scoped3A : memref<!tpu.dma_semaphore, #tpu.memory_space<semaphore_mem>>) src(%arg4 : memref<128x16xf32, #tpu.memory_space<hbm>>) dst(%arg7 : memref<128x16xf32, #tpu.memory_space<vmem>>)
      tpu.yield
    }) : () -> ()
    "tpu.region"() ({
      %run_scoped3A = tpu.sem_alloc : memref<!tpu.dma_semaphore, #tpu.memory_space<semaphore_mem>>
      %dma_start3A = arith.constant 0 : i32
      %dma_start3A_41 = arith.constant 0 : i32
      %dma_start3A_42 = tpu.memref_slice %arg2[%add3A, %dma_start3A, %dma_start3A_41] : memref<32x80x128xi32, #tpu.memory_space<hbm>> -> memref<1x80x128xi32, #tpu.memory_space<hbm>>
      %dma_start3A_43 = tpu.memref_squeeze %dma_start3A_42 : memref<1x80x128xi32, #tpu.memory_space<hbm>> -> memref<80x128xi32, #tpu.memory_space<hbm>>
      %dma_start3A_44 = arith.constant 0 : i32
      %dma_start3A_45 = arith.constant 0 : i32
      %dma_start3A_46 = tpu.memref_slice %arg2[%add3A, %dma_start3A_44, %dma_start3A_45] : memref<32x80x128xi32, #tpu.memory_space<hbm>> -> memref<1x80x128xi32, #tpu.memory_space<hbm>>
      %dma_start3A_47 = tpu.memref_squeeze %dma_start3A_46 : memref<1x80x128xi32, #tpu.memory_space<hbm>> -> memref<80x128xi32, #tpu.memory_space<hbm>>
      tpu.enqueue_dma source(%dma_start3A_47 : memref<80x128xi32, #tpu.memory_space<hbm>>) target(%arg6 : memref<80x128xi32, #tpu.memory_space<vmem>>) target_semaphore(%run_scoped3A : memref<!tpu.dma_semaphore, #tpu.memory_space<semaphore_mem>>)
      %dma_wait3A = arith.constant 0 : i32
      %dma_wait3A_48 = arith.constant 0 : i32
      %dma_wait3A_49 = tpu.memref_slice %arg2[%add3A, %dma_wait3A, %dma_wait3A_48] : memref<32x80x128xi32, #tpu.memory_space<hbm>> -> memref<1x80x128xi32, #tpu.memory_space<hbm>>
      %dma_wait3A_50 = tpu.memref_squeeze %dma_wait3A_49 : memref<1x80x128xi32, #tpu.memory_space<hbm>> -> memref<80x128xi32, #tpu.memory_space<hbm>>
      %dma_wait3A_51 = arith.constant 0 : i32
      %dma_wait3A_52 = arith.constant 0 : i32
      %dma_wait3A_53 = tpu.memref_slice %arg2[%add3A, %dma_wait3A_51, %dma_wait3A_52] : memref<32x80x128xi32, #tpu.memory_space<hbm>> -> memref<1x80x128xi32, #tpu.memory_space<hbm>>
      %dma_wait3A_54 = tpu.memref_squeeze %dma_wait3A_53 : memref<1x80x128xi32, #tpu.memory_space<hbm>> -> memref<80x128xi32, #tpu.memory_space<hbm>>
      tpu.wait_dma2 semaphore(%run_scoped3A : memref<!tpu.dma_semaphore, #tpu.memory_space<semaphore_mem>>) src(%dma_wait3A_54 : memref<80x128xi32, #tpu.memory_space<hbm>>) dst(%arg6 : memref<80x128xi32, #tpu.memory_space<vmem>>)
      tpu.yield
    }) : () -> ()
    %barrier3A = arith.constant 0 : index
    tpu.barrier barrier_id(%barrier3A)
    %scan3A = arith.constant 0 : i32
    %scan3A_31 = arith.constant 0 : i32
    %scan3A_32 = arith.constant 10 : i32
    %scan3A_33 = arith.addi %scan3A_31, %scan3A_32 : i32
    %scan3A_34 = arith.constant 1 : i32
    scf.for %scan3A_41 = %scan3A_31 to %scan3A_33 step %scan3A_34  : i32 {
      %mul3A_42 = arith.constant 8 : i32
      %mul3A_43 = arith.muli %scan3A_41, %mul3A_42 : i32
      %add3A_44 = arith.constant 0 : i32
      %add3A_45 = arith.addi %mul3A_43, %add3A_44 : i32
      %dma_start3A = arith.constant 0 : i32
      %dma_start3A_46 = tpu.memref_slice %arg6[%add3A_45, %dma_start3A] : memref<80x128xi32, #tpu.memory_space<vmem>> -> memref<1x128xi32, #tpu.memory_space<vmem>>
      %dma_start3A_47 = tpu.memref_squeeze %dma_start3A_46 : memref<1x128xi32, #tpu.memory_space<vmem>> -> memref<128xi32, #tpu.memory_space<vmem>>
      %dma_start3A_48 = arith.constant 0 : i32
      %dma_start3A_49 = arith.constant 0 : i32
      %dma_start3A_50 = tpu.memref_slice %arg8[%dma_start3A_48, %dma_start3A_49] : memref<10240x16xf32, #tpu.memory_space<vmem_shared>> -> memref<10240x16xf32, #tpu.memory_space<vmem_shared>>
      tpu.enqueue_indirect_dma source(%arg7 : memref<128x16xf32, #tpu.memory_space<vmem>>) target(%dma_start3A_50 : memref<10240x16xf32, #tpu.memory_space<vmem_shared>>) offsets(%dma_start3A_47 : memref<128xi32, #tpu.memory_space<vmem>>) semaphore(%arg9 : memref<!tpu.dma_semaphore, #tpu.memory_space<semaphore_mem>>) {add = true}
      %mul3A_51 = arith.constant 8 : i32
      %mul3A_52 = arith.muli %scan3A_41, %mul3A_51 : i32
      %add3A_53 = arith.constant 1 : i32
      %add3A_54 = arith.addi %mul3A_52, %add3A_53 : i32
      %dma_start3A_55 = arith.constant 0 : i32
      %dma_start3A_56 = tpu.memref_slice %arg6[%add3A_54, %dma_start3A_55] : memref<80x128xi32, #tpu.memory_space<vmem>> -> memref<1x128xi32, #tpu.memory_space<vmem>>
      %dma_start3A_57 = tpu.memref_squeeze %dma_start3A_56 : memref<1x128xi32, #tpu.memory_space<vmem>> -> memref<128xi32, #tpu.memory_space<vmem>>
      %dma_start3A_58 = arith.constant 0 : i32
      %dma_start3A_59 = arith.constant 0 : i32
      %dma_start3A_60 = tpu.memref_slice %arg8[%dma_start3A_58, %dma_start3A_59] : memref<10240x16xf32, #tpu.memory_space<vmem_shared>> -> memref<10240x16xf32, #tpu.memory_space<vmem_shared>>
      tpu.enqueue_indirect_dma source(%arg7 : memref<128x16xf32, #tpu.memory_space<vmem>>) target(%dma_start3A_60 : memref<10240x16xf32, #tpu.memory_space<vmem_shared>>) offsets(%dma_start3A_57 : memref<128xi32, #tpu.memory_space<vmem>>) semaphore(%arg9 : memref<!tpu.dma_semaphore, #tpu.memory_space<semaphore_mem>>) {add = true}
      %mul3A_61 = arith.constant 8 : i32
      %mul3A_62 = arith.muli %scan3A_41, %mul3A_61 : i32
      %add3A_63 = arith.constant 2 : i32
      %add3A_64 = arith.addi %mul3A_62, %add3A_63 : i32
      %dma_start3A_65 = arith.constant 0 : i32
      %dma_start3A_66 = tpu.memref_slice %arg6[%add3A_64, %dma_start3A_65] : memref<80x128xi32, #tpu.memory_space<vmem>> -> memref<1x128xi32, #tpu.memory_space<vmem>>
      %dma_start3A_67 = tpu.memref_squeeze %dma_start3A_66 : memref<1x128xi32, #tpu.memory_space<vmem>> -> memref<128xi32, #tpu.memory_space<vmem>>
      %dma_start3A_68 = arith.constant 0 : i32
      %dma_start3A_69 = arith.constant 0 : i32
      %dma_start3A_70 = tpu.memref_slice %arg8[%dma_start3A_68, %dma_start3A_69] : memref<10240x16xf32, #tpu.memory_space<vmem_shared>> -> memref<10240x16xf32, #tpu.memory_space<vmem_shared>>
      tpu.enqueue_indirect_dma source(%arg7 : memref<128x16xf32, #tpu.memory_space<vmem>>) target(%dma_start3A_70 : memref<10240x16xf32, #tpu.memory_space<vmem_shared>>) offsets(%dma_start3A_67 : memref<128xi32, #tpu.memory_space<vmem>>) semaphore(%arg9 : memref<!tpu.dma_semaphore, #tpu.memory_space<semaphore_mem>>) {add = true}
      %mul3A_71 = arith.constant 8 : i32
      %mul3A_72 = arith.muli %scan3A_41, %mul3A_71 : i32
      %add3A_73 = arith.constant 3 : i32
      %add3A_74 = arith.addi %mul3A_72, %add3A_73 : i32
      %dma_start3A_75 = arith.constant 0 : i32
      %dma_start3A_76 = tpu.memref_slice %arg6[%add3A_74, %dma_start3A_75] : memref<80x128xi32, #tpu.memory_space<vmem>> -> memref<1x128xi32, #tpu.memory_space<vmem>>
      %dma_start3A_77 = tpu.memref_squeeze %dma_start3A_76 : memref<1x128xi32, #tpu.memory_space<vmem>> -> memref<128xi32, #tpu.memory_space<vmem>>
      %dma_start3A_78 = arith.constant 0 : i32
      %dma_start3A_79 = arith.constant 0 : i32
      %dma_start3A_80 = tpu.memref_slice %arg8[%dma_start3A_78, %dma_start3A_79] : memref<10240x16xf32, #tpu.memory_space<vmem_shared>> -> memref<10240x16xf32, #tpu.memory_space<vmem_shared>>
      tpu.enqueue_indirect_dma source(%arg7 : memref<128x16xf32, #tpu.memory_space<vmem>>) target(%dma_start3A_80 : memref<10240x16xf32, #tpu.memory_space<vmem_shared>>) offsets(%dma_start3A_77 : memref<128xi32, #tpu.memory_space<vmem>>) semaphore(%arg9 : memref<!tpu.dma_semaphore, #tpu.memory_space<semaphore_mem>>) {add = true}
      %mul3A_81 = arith.constant 8 : i32
      %mul3A_82 = arith.muli %scan3A_41, %mul3A_81 : i32
      %add3A_83 = arith.constant 4 : i32
      %add3A_84 = arith.addi %mul3A_82, %add3A_83 : i32
      %dma_start3A_85 = arith.constant 0 : i32
      %dma_start3A_86 = tpu.memref_slice %arg6[%add3A_84, %dma_start3A_85] : memref<80x128xi32, #tpu.memory_space<vmem>> -> memref<1x128xi32, #tpu.memory_space<vmem>>
      %dma_start3A_87 = tpu.memref_squeeze %dma_start3A_86 : memref<1x128xi32, #tpu.memory_space<vmem>> -> memref<128xi32, #tpu.memory_space<vmem>>
      %dma_start3A_88 = arith.constant 0 : i32
      %dma_start3A_89 = arith.constant 0 : i32
      %dma_start3A_90 = tpu.memref_slice %arg8[%dma_start3A_88, %dma_start3A_89] : memref<10240x16xf32, #tpu.memory_space<vmem_shared>> -> memref<10240x16xf32, #tpu.memory_space<vmem_shared>>
      tpu.enqueue_indirect_dma source(%arg7 : memref<128x16xf32, #tpu.memory_space<vmem>>) target(%dma_start3A_90 : memref<10240x16xf32, #tpu.memory_space<vmem_shared>>) offsets(%dma_start3A_87 : memref<128xi32, #tpu.memory_space<vmem>>) semaphore(%arg9 : memref<!tpu.dma_semaphore, #tpu.memory_space<semaphore_mem>>) {add = true}
      %mul3A_91 = arith.constant 8 : i32
      %mul3A_92 = arith.muli %scan3A_41, %mul3A_91 : i32
      %add3A_93 = arith.constant 5 : i32
      %add3A_94 = arith.addi %mul3A_92, %add3A_93 : i32
      %dma_start3A_95 = arith.constant 0 : i32
      %dma_start3A_96 = tpu.memref_slice %arg6[%add3A_94, %dma_start3A_95] : memref<80x128xi32, #tpu.memory_space<vmem>> -> memref<1x128xi32, #tpu.memory_space<vmem>>
      %dma_start3A_97 = tpu.memref_squeeze %dma_start3A_96 : memref<1x128xi32, #tpu.memory_space<vmem>> -> memref<128xi32, #tpu.memory_space<vmem>>
      %dma_start3A_98 = arith.constant 0 : i32
      %dma_start3A_99 = arith.constant 0 : i32
      %dma_start3A_100 = tpu.memref_slice %arg8[%dma_start3A_98, %dma_start3A_99] : memref<10240x16xf32, #tpu.memory_space<vmem_shared>> -> memref<10240x16xf32, #tpu.memory_space<vmem_shared>>
      tpu.enqueue_indirect_dma source(%arg7 : memref<128x16xf32, #tpu.memory_space<vmem>>) target(%dma_start3A_100 : memref<10240x16xf32, #tpu.memory_space<vmem_shared>>) offsets(%dma_start3A_97 : memref<128xi32, #tpu.memory_space<vmem>>) semaphore(%arg9 : memref<!tpu.dma_semaphore, #tpu.memory_space<semaphore_mem>>) {add = true}
      %mul3A_101 = arith.constant 8 : i32
      %mul3A_102 = arith.muli %scan3A_41, %mul3A_101 : i32
      %add3A_103 = arith.constant 6 : i32
      %add3A_104 = arith.addi %mul3A_102, %add3A_103 : i32
      %dma_start3A_105 = arith.constant 0 : i32
      %dma_start3A_106 = tpu.memref_slice %arg6[%add3A_104, %dma_start3A_105] : memref<80x128xi32, #tpu.memory_space<vmem>> -> memref<1x128xi32, #tpu.memory_space<vmem>>
      %dma_start3A_107 = tpu.memref_squeeze %dma_start3A_106 : memref<1x128xi32, #tpu.memory_space<vmem>> -> memref<128xi32, #tpu.memory_space<vmem>>
      %dma_start3A_108 = arith.constant 0 : i32
      %dma_start3A_109 = arith.constant 0 : i32
      %dma_start3A_110 = tpu.memref_slice %arg8[%dma_start3A_108, %dma_start3A_109] : memref<10240x16xf32, #tpu.memory_space<vmem_shared>> -> memref<10240x16xf32, #tpu.memory_space<vmem_shared>>
      tpu.enqueue_indirect_dma source(%arg7 : memref<128x16xf32, #tpu.memory_space<vmem>>) target(%dma_start3A_110 : memref<10240x16xf32, #tpu.memory_space<vmem_shared>>) offsets(%dma_start3A_107 : memref<128xi32, #tpu.memory_space<vmem>>) semaphore(%arg9 : memref<!tpu.dma_semaphore, #tpu.memory_space<semaphore_mem>>) {add = true}
      %mul3A_111 = arith.constant 8 : i32
      %mul3A_112 = arith.muli %scan3A_41, %mul3A_111 : i32
      %add3A_113 = arith.constant 7 : i32
      %add3A_114 = arith.addi %mul3A_112, %add3A_113 : i32
      %dma_start3A_115 = arith.constant 0 : i32
      %dma_start3A_116 = tpu.memref_slice %arg6[%add3A_114, %dma_start3A_115] : memref<80x128xi32, #tpu.memory_space<vmem>> -> memref<1x128xi32, #tpu.memory_space<vmem>>
      %dma_start3A_117 = tpu.memref_squeeze %dma_start3A_116 : memref<1x128xi32, #tpu.memory_space<vmem>> -> memref<128xi32, #tpu.memory_space<vmem>>
      %dma_start3A_118 = arith.constant 0 : i32
      %dma_start3A_119 = arith.constant 0 : i32
      %dma_start3A_120 = tpu.memref_slice %arg8[%dma_start3A_118, %dma_start3A_119] : memref<10240x16xf32, #tpu.memory_space<vmem_shared>> -> memref<10240x16xf32, #tpu.memory_space<vmem_shared>>
      tpu.enqueue_indirect_dma source(%arg7 : memref<128x16xf32, #tpu.memory_space<vmem>>) target(%dma_start3A_120 : memref<10240x16xf32, #tpu.memory_space<vmem_shared>>) offsets(%dma_start3A_117 : memref<128xi32, #tpu.memory_space<vmem>>) semaphore(%arg9 : memref<!tpu.dma_semaphore, #tpu.memory_space<semaphore_mem>>) {add = true}
      %dma_wait3A = arith.constant 0 : i32
      %dma_wait3A_121 = tpu.memref_slice %arg6[%add3A_45, %dma_wait3A] : memref<80x128xi32, #tpu.memory_space<vmem>> -> memref<1x128xi32, #tpu.memory_space<vmem>>
      %dma_wait3A_122 = tpu.memref_squeeze %dma_wait3A_121 : memref<1x128xi32, #tpu.memory_space<vmem>> -> memref<128xi32, #tpu.memory_space<vmem>>
      %dma_wait3A_123 = arith.constant 0 : i32
      %dma_wait3A_124 = arith.constant 0 : i32
      %dma_wait3A_125 = tpu.memref_slice %arg8[%dma_wait3A_123, %dma_wait3A_124] : memref<10240x16xf32, #tpu.memory_space<vmem_shared>> -> memref<10240x16xf32, #tpu.memory_space<vmem_shared>>
      tpu.wait_indirect_dma semaphore(%arg9 : memref<!tpu.dma_semaphore, #tpu.memory_space<semaphore_mem>>) src(%arg7 : memref<128x16xf32, #tpu.memory_space<vmem>>) dst(%dma_wait3A_125 : memref<10240x16xf32, #tpu.memory_space<vmem_shared>>)
      %dma_wait3A_126 = arith.constant 0 : i32
      %dma_wait3A_127 = tpu.memref_slice %arg6[%add3A_54, %dma_wait3A_126] : memref<80x128xi32, #tpu.memory_space<vmem>> -> memref<1x128xi32, #tpu.memory_space<vmem>>
      %dma_wait3A_128 = tpu.memref_squeeze %dma_wait3A_127 : memref<1x128xi32, #tpu.memory_space<vmem>> -> memref<128xi32, #tpu.memory_space<vmem>>
      %dma_wait3A_129 = arith.constant 0 : i32
      %dma_wait3A_130 = arith.constant 0 : i32
      %dma_wait3A_131 = tpu.memref_slice %arg8[%dma_wait3A_129, %dma_wait3A_130] : memref<10240x16xf32, #tpu.memory_space<vmem_shared>> -> memref<10240x16xf32, #tpu.memory_space<vmem_shared>>
      tpu.wait_indirect_dma semaphore(%arg9 : memref<!tpu.dma_semaphore, #tpu.memory_space<semaphore_mem>>) src(%arg7 : memref<128x16xf32, #tpu.memory_space<vmem>>) dst(%dma_wait3A_131 : memref<10240x16xf32, #tpu.memory_space<vmem_shared>>)
      %dma_wait3A_132 = arith.constant 0 : i32
      %dma_wait3A_133 = tpu.memref_slice %arg6[%add3A_64, %dma_wait3A_132] : memref<80x128xi32, #tpu.memory_space<vmem>> -> memref<1x128xi32, #tpu.memory_space<vmem>>
      %dma_wait3A_134 = tpu.memref_squeeze %dma_wait3A_133 : memref<1x128xi32, #tpu.memory_space<vmem>> -> memref<128xi32, #tpu.memory_space<vmem>>
      %dma_wait3A_135 = arith.constant 0 : i32
      %dma_wait3A_136 = arith.constant 0 : i32
      %dma_wait3A_137 = tpu.memref_slice %arg8[%dma_wait3A_135, %dma_wait3A_136] : memref<10240x16xf32, #tpu.memory_space<vmem_shared>> -> memref<10240x16xf32, #tpu.memory_space<vmem_shared>>
      tpu.wait_indirect_dma semaphore(%arg9 : memref<!tpu.dma_semaphore, #tpu.memory_space<semaphore_mem>>) src(%arg7 : memref<128x16xf32, #tpu.memory_space<vmem>>) dst(%dma_wait3A_137 : memref<10240x16xf32, #tpu.memory_space<vmem_shared>>)
      %dma_wait3A_138 = arith.constant 0 : i32
      %dma_wait3A_139 = tpu.memref_slice %arg6[%add3A_74, %dma_wait3A_138] : memref<80x128xi32, #tpu.memory_space<vmem>> -> memref<1x128xi32, #tpu.memory_space<vmem>>
      %dma_wait3A_140 = tpu.memref_squeeze %dma_wait3A_139 : memref<1x128xi32, #tpu.memory_space<vmem>> -> memref<128xi32, #tpu.memory_space<vmem>>
      %dma_wait3A_141 = arith.constant 0 : i32
      %dma_wait3A_142 = arith.constant 0 : i32
      %dma_wait3A_143 = tpu.memref_slice %arg8[%dma_wait3A_141, %dma_wait3A_142] : memref<10240x16xf32, #tpu.memory_space<vmem_shared>> -> memref<10240x16xf32, #tpu.memory_space<vmem_shared>>
      tpu.wait_indirect_dma semaphore(%arg9 : memref<!tpu.dma_semaphore, #tpu.memory_space<semaphore_mem>>) src(%arg7 : memref<128x16xf32, #tpu.memory_space<vmem>>) dst(%dma_wait3A_143 : memref<10240x16xf32, #tpu.memory_space<vmem_shared>>)
      %dma_wait3A_144 = arith.constant 0 : i32
      %dma_wait3A_145 = tpu.memref_slice %arg6[%add3A_84, %dma_wait3A_144] : memref<80x128xi32, #tpu.memory_space<vmem>> -> memref<1x128xi32, #tpu.memory_space<vmem>>
      %dma_wait3A_146 = tpu.memref_squeeze %dma_wait3A_145 : memref<1x128xi32, #tpu.memory_space<vmem>> -> memref<128xi32, #tpu.memory_space<vmem>>
      %dma_wait3A_147 = arith.constant 0 : i32
      %dma_wait3A_148 = arith.constant 0 : i32
      %dma_wait3A_149 = tpu.memref_slice %arg8[%dma_wait3A_147, %dma_wait3A_148] : memref<10240x16xf32, #tpu.memory_space<vmem_shared>> -> memref<10240x16xf32, #tpu.memory_space<vmem_shared>>
      tpu.wait_indirect_dma semaphore(%arg9 : memref<!tpu.dma_semaphore, #tpu.memory_space<semaphore_mem>>) src(%arg7 : memref<128x16xf32, #tpu.memory_space<vmem>>) dst(%dma_wait3A_149 : memref<10240x16xf32, #tpu.memory_space<vmem_shared>>)
      %dma_wait3A_150 = arith.constant 0 : i32
      %dma_wait3A_151 = tpu.memref_slice %arg6[%add3A_94, %dma_wait3A_150] : memref<80x128xi32, #tpu.memory_space<vmem>> -> memref<1x128xi32, #tpu.memory_space<vmem>>
      %dma_wait3A_152 = tpu.memref_squeeze %dma_wait3A_151 : memref<1x128xi32, #tpu.memory_space<vmem>> -> memref<128xi32, #tpu.memory_space<vmem>>
      %dma_wait3A_153 = arith.constant 0 : i32
      %dma_wait3A_154 = arith.constant 0 : i32
      %dma_wait3A_155 = tpu.memref_slice %arg8[%dma_wait3A_153, %dma_wait3A_154] : memref<10240x16xf32, #tpu.memory_space<vmem_shared>> -> memref<10240x16xf32, #tpu.memory_space<vmem_shared>>
      tpu.wait_indirect_dma semaphore(%arg9 : memref<!tpu.dma_semaphore, #tpu.memory_space<semaphore_mem>>) src(%arg7 : memref<128x16xf32, #tpu.memory_space<vmem>>) dst(%dma_wait3A_155 : memref<10240x16xf32, #tpu.memory_space<vmem_shared>>)
      %dma_wait3A_156 = arith.constant 0 : i32
      %dma_wait3A_157 = tpu.memref_slice %arg6[%add3A_104, %dma_wait3A_156] : memref<80x128xi32, #tpu.memory_space<vmem>> -> memref<1x128xi32, #tpu.memory_space<vmem>>
      %dma_wait3A_158 = tpu.memref_squeeze %dma_wait3A_157 : memref<1x128xi32, #tpu.memory_space<vmem>> -> memref<128xi32, #tpu.memory_space<vmem>>
      %dma_wait3A_159 = arith.constant 0 : i32
      %dma_wait3A_160 = arith.constant 0 : i32
      %dma_wait3A_161 = tpu.memref_slice %arg8[%dma_wait3A_159, %dma_wait3A_160] : memref<10240x16xf32, #tpu.memory_space<vmem_shared>> -> memref<10240x16xf32, #tpu.memory_space<vmem_shared>>
      tpu.wait_indirect_dma semaphore(%arg9 : memref<!tpu.dma_semaphore, #tpu.memory_space<semaphore_mem>>) src(%arg7 : memref<128x16xf32, #tpu.memory_space<vmem>>) dst(%dma_wait3A_161 : memref<10240x16xf32, #tpu.memory_space<vmem_shared>>)
      %dma_wait3A_162 = arith.constant 0 : i32
      %dma_wait3A_163 = tpu.memref_slice %arg6[%add3A_114, %dma_wait3A_162] : memref<80x128xi32, #tpu.memory_space<vmem>> -> memref<1x128xi32, #tpu.memory_space<vmem>>
      %dma_wait3A_164 = tpu.memref_squeeze %dma_wait3A_163 : memref<1x128xi32, #tpu.memory_space<vmem>> -> memref<128xi32, #tpu.memory_space<vmem>>
      %dma_wait3A_165 = arith.constant 0 : i32
      %dma_wait3A_166 = arith.constant 0 : i32
      %dma_wait3A_167 = tpu.memref_slice %arg8[%dma_wait3A_165, %dma_wait3A_166] : memref<10240x16xf32, #tpu.memory_space<vmem_shared>> -> memref<10240x16xf32, #tpu.memory_space<vmem_shared>>
      tpu.wait_indirect_dma semaphore(%arg9 : memref<!tpu.dma_semaphore, #tpu.memory_space<semaphore_mem>>) src(%arg7 : memref<128x16xf32, #tpu.memory_space<vmem>>) dst(%dma_wait3A_167 : memref<10240x16xf32, #tpu.memory_space<vmem_shared>>)
    }
    %scan3A_35 = arith.constant 10 : i32
    %barrier3A_36 = arith.constant 0 : index
    tpu.barrier barrier_id(%barrier3A_36)
    %mul3A_37 = arith.constant 640 : i32
    %mul3A_38 = arith.muli %arg1, %mul3A_37 : i32
    %mul3A_39 = arith.constant 640 : i32
    %mul3A_40 = arith.muli %arg1, %mul3A_39 : i32
    "tpu.region"() ({
      %run_scoped3A = tpu.sem_alloc : memref<!tpu.dma_semaphore, #tpu.memory_space<semaphore_mem>>
      %dma_start3A = arith.constant 0 : i32
      %dma_start3A_41 = tpu.memref_slice %arg5[%arg0, %mul3A_40, %dma_start3A] : memref<2x10240x16xf32, #tpu.memory_space<hbm>> -> memref<1x640x16xf32, #tpu.memory_space<hbm>>
      %dma_start3A_42 = tpu.memref_squeeze %dma_start3A_41 : memref<1x640x16xf32, #tpu.memory_space<hbm>> -> memref<640x16xf32, #tpu.memory_space<hbm>>
      %dma_start3A_43 = arith.constant 0 : i32
      %dma_start3A_44 = tpu.memref_slice %arg8[%mul3A_38, %dma_start3A_43] : memref<10240x16xf32, #tpu.memory_space<vmem_shared>> -> memref<640x16xf32, #tpu.memory_space<vmem_shared>>
      tpu.enqueue_dma source(%dma_start3A_44 : memref<640x16xf32, #tpu.memory_space<vmem_shared>>) target(%dma_start3A_42 : memref<640x16xf32, #tpu.memory_space<hbm>>) target_semaphore(%run_scoped3A : memref<!tpu.dma_semaphore, #tpu.memory_space<semaphore_mem>>)
      %dma_wait3A = arith.constant 0 : i32
      %dma_wait3A_45 = tpu.memref_slice %arg5[%arg0, %mul3A_40, %dma_wait3A] : memref<2x10240x16xf32, #tpu.memory_space<hbm>> -> memref<1x640x16xf32, #tpu.memory_space<hbm>>
      %dma_wait3A_46 = tpu.memref_squeeze %dma_wait3A_45 : memref<1x640x16xf32, #tpu.memory_space<hbm>> -> memref<640x16xf32, #tpu.memory_space<hbm>>
      %dma_wait3A_47 = arith.constant 0 : i32
      %dma_wait3A_48 = tpu.memref_slice %arg8[%mul3A_38, %dma_wait3A_47] : memref<10240x16xf32, #tpu.memory_space<vmem_shared>> -> memref<640x16xf32, #tpu.memory_space<vmem_shared>>
      tpu.wait_dma2 semaphore(%run_scoped3A : memref<!tpu.dma_semaphore, #tpu.memory_space<semaphore_mem>>) src(%dma_wait3A_48 : memref<640x16xf32, #tpu.memory_space<vmem_shared>>) dst(%dma_wait3A_46 : memref<640x16xf32, #tpu.memory_space<hbm>>)
      tpu.yield
    }) : () -> ()
    return
  }
}

module attributes {stable_mosaic.version = 14 : i64} {
  func.func @body(%arg0: i32, %arg1: memref<2000x128xf32, #tpu.memory_space<vmem>>, %arg2: memref<128x128xf32, #tpu.memory_space<vmem>>, %arg3: memref<2x2000x16xf32, #tpu.memory_space<vmem>>, %arg4: memref<2000x128xf32, #tpu.memory_space<vmem>>) attributes {dimension_semantics = [#tpu.dimension_semantics<arbitrary>], iteration_bounds = array<i64: 5>, scalar_prefetch = 0 : i64, scratch_operands = 0 : i64, tpu.core_type = #tpu.core_type<tc>, window_params = [{transform_indices = @transform_0, window_bounds = array<i64: 2000, 128>}, {pipeline_mode = #tpu.pipeline_mode<synchronous>, transform_indices = @transform_1, window_bounds = array<i64: 128, 128>}, {transform_indices = @transform_2, window_bounds = array<i64: 2, 2000, 16>}, {transform_indices = @transform_3, window_bounds = array<i64: 2000, 128>}]} {
    %get3A = arith.constant 0 : index
    %get3A_0 = arith.constant 0 : index
    %get3A_1 = vector.load %arg1[%get3A, %get3A_0] : memref<2000x128xf32, #tpu.memory_space<vmem>>, vector<2000x128xf32>
    %get3A_2 = arith.constant 0 : index
    %get3A_3 = arith.constant 0 : index
    %get3A_4 = vector.load %arg2[%get3A_2, %get3A_3] : memref<128x128xf32, #tpu.memory_space<vmem>>, vector<128x128xf32>
    %dot_general3A = arith.constant dense<0.000000e+00> : vector<2000x128xf32>
    %dot_general3A_5 = tpu.matmul %get3A_1, %get3A_4, %dot_general3A {dimension_numbers = #tpu.dot_dimension_numbers<[1], [1], [0], [0], [0, 0, 1, 0], [], []>, precision = #tpu.contract_precision<fp32>, transpose_lhs_hint = false} : vector<2000x128xf32>, vector<128x128xf32>, vector<2000x128xf32> -> vector<2000x128xf32>
    %get3A_6 = arith.constant 0 : index
    %get3A_7 = arith.constant 0 : index
    %get3A_8 = arith.constant 0 : index
    %get3A_9 = vector.load %arg3[%get3A_6, %get3A_7, %get3A_8] : memref<2x2000x16xf32, #tpu.memory_space<vmem>>, vector<1x2000x16xf32>
    %get3A_10 = vector.shape_cast %get3A_9 : vector<1x2000x16xf32> to vector<2000x16xf32>
    %get3A_11 = arith.constant 1 : index
    %get3A_12 = arith.constant 0 : index
    %get3A_13 = arith.constant 0 : index
    %get3A_14 = vector.load %arg3[%get3A_11, %get3A_12, %get3A_13] : memref<2x2000x16xf32, #tpu.memory_space<vmem>>, vector<1x2000x16xf32>
    %get3A_15 = vector.shape_cast %get3A_14 : vector<1x2000x16xf32> to vector<2000x16xf32>
    %add3A = arith.addf %get3A_10, %get3A_15 : vector<2000x16xf32>
    %slice3A = vector.extract_strided_slice %add3A {offsets = [0, 0], sizes = [2000, 1], strides = [1, 1]} : vector<2000x16xf32> to vector<2000x1xf32>
    %add3A_16 = arith.constant 1.000000e+00 : f32
    %add3A_17 = vector.broadcast %add3A_16 : f32 to vector<2000x1xf32>
    %add3A_18 = arith.addf %slice3A, %add3A_17 : vector<2000x1xf32>
    %rsqrt3A = math.rsqrt %add3A_18 : vector<2000x1xf32>
    %mul3A = vector.broadcast %rsqrt3A : vector<2000x1xf32> to vector<2000x128xf32>
    %mul3A_19 = arith.mulf %dot_general3A_5, %mul3A : vector<2000x128xf32>
    %swap3A = arith.constant 0 : index
    %swap3A_20 = arith.constant 0 : index
    %swap3A_21 = vector.load %arg4[%swap3A, %swap3A_20] : memref<2000x128xf32, #tpu.memory_space<vmem>>, vector<2000x128xf32>
    tpu.vector_store %arg4[%swap3A, %swap3A_20], %mul3A_19 {strides = array<i32>} : memref<2000x128xf32, #tpu.memory_space<vmem>>, vector<2000x128xf32>,
    return
  }
  func.func @transform_0(%arg0: i32) -> (i32, i32) {
    %c0_i32 = arith.constant 0 : i32
    %c0_i32_0 = arith.constant 0 : i32
    return %arg0, %c0_i32 : i32, i32
  }
  func.func @transform_1(%arg0: i32) -> (i32, i32) {
    %c0_i32 = arith.constant 0 : i32
    %c0_i32_0 = arith.constant 0 : i32
    %c0_i32_1 = arith.constant 0 : i32
    return %c0_i32, %c0_i32_0 : i32, i32
  }
  func.func @transform_2(%arg0: i32) -> (i32, i32, i32) {
    %c0_i32 = arith.constant 0 : i32
    %c0_i32_0 = arith.constant 0 : i32
    %c0_i32_1 = arith.constant 0 : i32
    return %c0_i32, %arg0, %c0_i32_0 : i32, i32, i32
  }
  func.func @transform_3(%arg0: i32) -> (i32, i32) {
    %c0_i32 = arith.constant 0 : i32
    %c0_i32_0 = arith.constant 0 : i32
    return %arg0, %c0_i32 : i32, i32
  }
}

module attributes {stable_mosaic.version = 14 : i64} {
  func.func @body(%arg0: i32, %arg1: i32, %arg2: memref<2000x128xf32, #tpu.memory_space<vmem>>, %arg3: memref<2000x128xf32, #tpu.memory_space<vmem>>, %arg4: memref<2x2000x64xf32, #tpu.memory_space<vmem>>, %arg5: memref<2x2000x16xf32, #tpu.memory_space<vmem>>, %arg6: memref<1x128xf32, #tpu.memory_space<vmem>>, %arg7: memref<1x128xf32, #tpu.memory_space<vmem>>, %arg8: memref<1x128xf32, #tpu.memory_space<vmem>>, %arg9: memref<64x128xf32, #tpu.memory_space<vmem>>, %arg10: memref<1x64xf32, #tpu.memory_space<vmem>>, %arg11: memref<16x64xf32, #tpu.memory_space<vmem>>, %arg12: memref<1x16xf32, #tpu.memory_space<vmem>>, %arg13: memref<2000x16xf32, #tpu.memory_space<vmem>>, %arg14: memref<2000x16xf32, #tpu.memory_space<vmem>>, %arg15: memref<1x128xf32, #tpu.memory_space<vmem>>, %arg16: memref<1x128xf32, #tpu.memory_space<vmem>>) attributes {dimension_semantics = [#tpu.dimension_semantics<arbitrary>, #tpu.dimension_semantics<arbitrary>], iteration_bounds = array<i64: 2, 5>, scalar_prefetch = 0 : i64, scratch_operands = 2 : i64, tpu.core_type = #tpu.core_type<tc>, window_params = [{transform_indices = @transform_0, window_bounds = array<i64: 2000, 128>}, {transform_indices = @transform_1, window_bounds = array<i64: 2000, 128>}, {transform_indices = @transform_2, window_bounds = array<i64: 2, 2000, 64>}, {transform_indices = @transform_3, window_bounds = array<i64: 2, 2000, 16>}, {pipeline_mode = #tpu.pipeline_mode<synchronous>, transform_indices = @transform_4, window_bounds = array<i64: 1, 128>}, {pipeline_mode = #tpu.pipeline_mode<synchronous>, transform_indices = @transform_5, window_bounds = array<i64: 1, 128>}, {pipeline_mode = #tpu.pipeline_mode<synchronous>, transform_indices = @transform_6, window_bounds = array<i64: 1, 128>}, {pipeline_mode = #tpu.pipeline_mode<synchronous>, transform_indices = @transform_7, window_bounds = array<i64: 64, 128>}, {pipeline_mode = #tpu.pipeline_mode<synchronous>, transform_indices = @transform_8, window_bounds = array<i64: 1, 64>}, {pipeline_mode = #tpu.pipeline_mode<synchronous>, transform_indices = @transform_9, window_bounds = array<i64: 16, 64>}, {pipeline_mode = #tpu.pipeline_mode<synchronous>, transform_indices = @transform_10, window_bounds = array<i64: 1, 16>}, {transform_indices = @transform_11, window_bounds = array<i64: 2000, 16>}, {transform_indices = @transform_12, window_bounds = array<i64: 2000, 16>}]} {
    %get3A = arith.constant 0 : index
    %get3A_0 = arith.constant 0 : index
    %get3A_1 = arith.constant 0 : index
    %get3A_2 = vector.load %arg5[%get3A, %get3A_0, %get3A_1] : memref<2x2000x16xf32, #tpu.memory_space<vmem>>, vector<1x2000x16xf32>
    %get3A_3 = vector.shape_cast %get3A_2 : vector<1x2000x16xf32> to vector<2000x16xf32>
    %get3A_4 = arith.constant 1 : index
    %get3A_5 = arith.constant 0 : index
    %get3A_6 = arith.constant 0 : index
    %get3A_7 = vector.load %arg5[%get3A_4, %get3A_5, %get3A_6] : memref<2x2000x16xf32, #tpu.memory_space<vmem>>, vector<1x2000x16xf32>
    %get3A_8 = vector.shape_cast %get3A_7 : vector<1x2000x16xf32> to vector<2000x16xf32>
    %add3A = arith.addf %get3A_3, %get3A_8 : vector<2000x16xf32>
    %slice3A = vector.extract_strided_slice %add3A {offsets = [0, 0], sizes = [2000, 1], strides = [1, 1]} : vector<2000x16xf32> to vector<2000x1xf32>
    %add3A_9 = arith.constant 1.000000e+00 : f32
    %add3A_10 = vector.broadcast %add3A_9 : f32 to vector<2000x1xf32>
    %add3A_11 = arith.addf %slice3A, %add3A_10 : vector<2000x1xf32>
    %rsqrt3A = math.rsqrt %add3A_11 : vector<2000x1xf32>
    %get3A_12 = arith.constant 0 : index
    %get3A_13 = arith.constant 0 : index
    %get3A_14 = arith.constant 0 : index
    %get3A_15 = vector.load %arg4[%get3A_12, %get3A_13, %get3A_14] : memref<2x2000x64xf32, #tpu.memory_space<vmem>>, vector<1x2000x64xf32>
    %get3A_16 = vector.shape_cast %get3A_15 : vector<1x2000x64xf32> to vector<2000x64xf32>
    %get3A_17 = arith.constant 1 : index
    %get3A_18 = arith.constant 0 : index
    %get3A_19 = arith.constant 0 : index
    %get3A_20 = vector.load %arg4[%get3A_17, %get3A_18, %get3A_19] : memref<2x2000x64xf32, #tpu.memory_space<vmem>>, vector<1x2000x64xf32>
    %get3A_21 = vector.shape_cast %get3A_20 : vector<1x2000x64xf32> to vector<2000x64xf32>
    %concatenate3A = tpu.concatenate %get3A_16, %get3A_21 in 1 : vector<2000x64xf32>, vector<2000x64xf32> -> vector<2000x128xf32>
    %get3A_22 = arith.constant 0 : index
    %get3A_23 = arith.constant 0 : index
    %get3A_24 = vector.load %arg3[%get3A_22, %get3A_23] : memref<2000x128xf32, #tpu.memory_space<vmem>>, vector<2000x128xf32>
    %add3A_25 = arith.addf %get3A_24, %concatenate3A : vector<2000x128xf32>
    %mul3A = vector.broadcast %rsqrt3A : vector<2000x1xf32> to vector<2000x128xf32>
    %mul3A_26 = arith.mulf %mul3A, %add3A_25 : vector<2000x128xf32>
    %get3A_27 = arith.constant 0 : index
    %get3A_28 = arith.constant 0 : index
    %get3A_29 = vector.load %arg6[%get3A_27, %get3A_28] : memref<1x128xf32, #tpu.memory_space<vmem>>, vector<1x128xf32>
    %add3A_30 = vector.broadcast %get3A_29 : vector<1x128xf32> to vector<2000x128xf32>
    %add3A_31 = arith.addf %mul3A_26, %add3A_30 : vector<2000x128xf32>
    %ge3A = arith.constant 0.000000e+00 : f32
    %ge3A_32 = vector.broadcast %ge3A : f32 to vector<2000x128xf32>
    %ge3A_33 = arith.cmpf oge, %add3A_31, %ge3A_32 : vector<2000x128xf32>
    %mul3A_34 = arith.constant 1.000000e-01 : f32
    %mul3A_35 = vector.broadcast %mul3A_34 : f32 to vector<2000x128xf32>
    %mul3A_36 = arith.mulf %mul3A_35, %add3A_31 : vector<2000x128xf32>
    %select_n3A = arith.select %ge3A_33, %add3A_31, %mul3A_36 : vector<2000x128xi1>, vector<2000x128xf32>
    %ge3A_37 = arith.constant 0.000000e+00 : f32
    %ge3A_38 = vector.broadcast %ge3A_37 : f32 to vector<2000x128xf32>
    %ge3A_39 = arith.cmpf oge, %select_n3A, %ge3A_38 : vector<2000x128xf32>
    %mul3A_40 = arith.constant 1.000000e-01 : f32
    %mul3A_41 = vector.broadcast %mul3A_40 : f32 to vector<2000x128xf32>
    %mul3A_42 = arith.mulf %mul3A_41, %select_n3A : vector<2000x128xf32>
    %select_n3A_43 = arith.select %ge3A_39, %select_n3A, %mul3A_42 : vector<2000x128xi1>, vector<2000x128xf32>
    %eq3A = arith.constant 0 : i32
    %eq3A_44 = arith.cmpi eq, %arg0, %eq3A : i32
    %eq3A_45 = arith.constant 0 : i32
    %eq3A_46 = arith.cmpi eq, %arg1, %eq3A_45 : i32
    %and3A = arith.andi %eq3A_44, %eq3A_46 : i1
    %convert_element_type3A = arith.extui %and3A : i1 to i32
    %cond3A = arith.constant 0 : i32
    %cond3A_47 = arith.cmpi ne, %convert_element_type3A, %cond3A : i32
    scf.if %cond3A_47 {
      %broadcast_in_dim3A = arith.constant 0.000000e+00 : f32
      %broadcast_in_dim3A_58 = vector.broadcast %broadcast_in_dim3A : f32 to vector<1x128xf32>
      %swap3A = arith.constant 0 : index
      %swap3A_59 = arith.constant 0 : index
      %swap3A_60 = vector.load %arg15[%swap3A, %swap3A_59] : memref<1x128xf32, #tpu.memory_space<vmem>>, vector<1x128xf32>
      tpu.vector_store %arg15[%swap3A, %swap3A_59], %broadcast_in_dim3A_58 {strides = array<i32>} : memref<1x128xf32, #tpu.memory_space<vmem>>, vector<1x128xf32>,
      %broadcast_in_dim3A_61 = arith.constant 0.000000e+00 : f32
      %broadcast_in_dim3A_62 = vector.broadcast %broadcast_in_dim3A_61 : f32 to vector<1x128xf32>
      %swap3A_63 = arith.constant 0 : index
      %swap3A_64 = arith.constant 0 : index
      %swap3A_65 = vector.load %arg16[%swap3A_63, %swap3A_64] : memref<1x128xf32, #tpu.memory_space<vmem>>, vector<1x128xf32>
      tpu.vector_store %arg16[%swap3A_63, %swap3A_64], %broadcast_in_dim3A_62 {strides = array<i32>} : memref<1x128xf32, #tpu.memory_space<vmem>>, vector<1x128xf32>,
    } else {
    }
    %eq3A_48 = arith.constant 0 : i32
    %eq3A_49 = arith.cmpi eq, %arg0, %eq3A_48 : i32
    %convert_element_type3A_50 = arith.extui %eq3A_49 : i1 to i32
    %cond3A_51 = arith.constant 0 : i32
    %cond3A_52 = arith.cmpi ne, %convert_element_type3A_50, %cond3A_51 : i32
    scf.if %cond3A_52 {
      %get3A_58 = arith.constant 0 : index
      %get3A_59 = arith.constant 0 : index
      %get3A_60 = vector.load %arg15[%get3A_58, %get3A_59] : memref<1x128xf32, #tpu.memory_space<vmem>>, vector<1x128xf32>
      %reduce_sum3A = arith.constant dense<0.000000e+00> : vector<128xf32>
      %reduce_sum3A_61 = vector.multi_reduction <add>, %select_n3A_43, %reduce_sum3A [0] : vector<2000x128xf32> to vector<128xf32>
      %broadcast_in_dim3A = vector.shape_cast %reduce_sum3A_61 : vector<128xf32> to vector<1x128xf32>
      %add3A_62 = arith.addf %get3A_60, %broadcast_in_dim3A : vector<1x128xf32>
      %swap3A = arith.constant 0 : index
      %swap3A_63 = arith.constant 0 : index
      %swap3A_64 = vector.load %arg15[%swap3A, %swap3A_63] : memref<1x128xf32, #tpu.memory_space<vmem>>, vector<1x128xf32>
      tpu.vector_store %arg15[%swap3A, %swap3A_63], %add3A_62 {strides = array<i32>} : memref<1x128xf32, #tpu.memory_space<vmem>>, vector<1x128xf32>,
      %get3A_65 = arith.constant 0 : index
      %get3A_66 = arith.constant 0 : index
      %get3A_67 = vector.load %arg16[%get3A_65, %get3A_66] : memref<1x128xf32, #tpu.memory_space<vmem>>, vector<1x128xf32>
      %mul3A_68 = arith.mulf %select_n3A_43, %select_n3A_43 : vector<2000x128xf32>
      %reduce_sum3A_69 = arith.constant dense<0.000000e+00> : vector<128xf32>
      %reduce_sum3A_70 = vector.multi_reduction <add>, %mul3A_68, %reduce_sum3A_69 [0] : vector<2000x128xf32> to vector<128xf32>
      %broadcast_in_dim3A_71 = vector.shape_cast %reduce_sum3A_70 : vector<128xf32> to vector<1x128xf32>
      %add3A_72 = arith.addf %get3A_67, %broadcast_in_dim3A_71 : vector<1x128xf32>
      %swap3A_73 = arith.constant 0 : index
      %swap3A_74 = arith.constant 0 : index
      %swap3A_75 = vector.load %arg16[%swap3A_73, %swap3A_74] : memref<1x128xf32, #tpu.memory_space<vmem>>, vector<1x128xf32>
      tpu.vector_store %arg16[%swap3A_73, %swap3A_74], %add3A_72 {strides = array<i32>} : memref<1x128xf32, #tpu.memory_space<vmem>>, vector<1x128xf32>,
    } else {
    }
    %eq3A_53 = arith.constant 1 : i32
    %eq3A_54 = arith.cmpi eq, %arg0, %eq3A_53 : i32
    %convert_element_type3A_55 = arith.extui %eq3A_54 : i1 to i32
    %cond3A_56 = arith.constant 0 : i32
    %cond3A_57 = arith.cmpi ne, %convert_element_type3A_55, %cond3A_56 : i32
    scf.if %cond3A_57 {
      %get3A_58 = arith.constant 0 : index
      %get3A_59 = arith.constant 0 : index
      %get3A_60 = vector.load %arg15[%get3A_58, %get3A_59] : memref<1x128xf32, #tpu.memory_space<vmem>>, vector<1x128xf32>
      %mul3A_61 = arith.constant 9.99999974E-5 : f32
      %mul3A_62 = vector.broadcast %mul3A_61 : f32 to vector<1x128xf32>
      %mul3A_63 = arith.mulf %get3A_60, %mul3A_62 : vector<1x128xf32>
      %get3A_64 = arith.constant 0 : index
      %get3A_65 = arith.constant 0 : index
      %get3A_66 = vector.load %arg16[%get3A_64, %get3A_65] : memref<1x128xf32, #tpu.memory_space<vmem>>, vector<1x128xf32>
      %mul3A_67 = arith.constant 9.99999974E-5 : f32
      %mul3A_68 = vector.broadcast %mul3A_67 : f32 to vector<1x128xf32>
      %mul3A_69 = arith.mulf %get3A_66, %mul3A_68 : vector<1x128xf32>
      %mul3A_70 = arith.mulf %mul3A_63, %mul3A_63 : vector<1x128xf32>
      %sub3A = arith.subf %mul3A_69, %mul3A_70 : vector<1x128xf32>
      %sub3A_71 = vector.broadcast %mul3A_63 : vector<1x128xf32> to vector<2000x128xf32>
      %sub3A_72 = arith.subf %select_n3A_43, %sub3A_71 : vector<2000x128xf32>
      %add3A_73 = arith.constant 9.99999974E-6 : f32
      %add3A_74 = vector.broadcast %add3A_73 : f32 to vector<1x128xf32>
      %add3A_75 = arith.addf %sub3A, %add3A_74 : vector<1x128xf32>
      %rsqrt3A_76 = math.rsqrt %add3A_75 : vector<1x128xf32>
      %mul3A_77 = vector.broadcast %rsqrt3A_76 : vector<1x128xf32> to vector<2000x128xf32>
      %mul3A_78 = arith.mulf %sub3A_72, %mul3A_77 : vector<2000x128xf32>
      %get3A_79 = arith.constant 0 : index
      %get3A_80 = arith.constant 0 : index
      %get3A_81 = vector.load %arg7[%get3A_79, %get3A_80] : memref<1x128xf32, #tpu.memory_space<vmem>>, vector<1x128xf32>
      %mul3A_82 = vector.broadcast %get3A_81 : vector<1x128xf32> to vector<2000x128xf32>
      %mul3A_83 = arith.mulf %mul3A_78, %mul3A_82 : vector<2000x128xf32>
      %get3A_84 = arith.constant 0 : index
      %get3A_85 = arith.constant 0 : index
      %get3A_86 = vector.load %arg8[%get3A_84, %get3A_85] : memref<1x128xf32, #tpu.memory_space<vmem>>, vector<1x128xf32>
      %add3A_87 = vector.broadcast %get3A_86 : vector<1x128xf32> to vector<2000x128xf32>
      %add3A_88 = arith.addf %mul3A_83, %add3A_87 : vector<2000x128xf32>
      %get3A_89 = arith.constant 0 : index
      %get3A_90 = arith.constant 0 : index
      %get3A_91 = vector.load %arg2[%get3A_89, %get3A_90] : memref<2000x128xf32, #tpu.memory_space<vmem>>, vector<2000x128xf32>
      %ge3A_92 = arith.constant 0.000000e+00 : f32
      %ge3A_93 = vector.broadcast %ge3A_92 : f32 to vector<2000x128xf32>
      %ge3A_94 = arith.cmpf oge, %add3A_88, %ge3A_93 : vector<2000x128xf32>
      %mul3A_95 = arith.constant 1.000000e-01 : f32
      %mul3A_96 = vector.broadcast %mul3A_95 : f32 to vector<2000x128xf32>
      %mul3A_97 = arith.mulf %mul3A_96, %add3A_88 : vector<2000x128xf32>
      %select_n3A_98 = arith.select %ge3A_94, %add3A_88, %mul3A_97 : vector<2000x128xi1>, vector<2000x128xf32>
      %mul3A_99 = arith.constant 0.00999999977 : f32
      %mul3A_100 = vector.broadcast %mul3A_99 : f32 to vector<2000x128xf32>
      %mul3A_101 = arith.mulf %mul3A_100, %select_n3A_98 : vector<2000x128xf32>
      %add3A_102 = arith.addf %get3A_91, %mul3A_101 : vector<2000x128xf32>
      %get3A_103 = arith.constant 0 : index
      %get3A_104 = arith.constant 0 : index
      %get3A_105 = vector.load %arg9[%get3A_103, %get3A_104] : memref<64x128xf32, #tpu.memory_space<vmem>>, vector<64x128xf32>
      %dot_general3A = arith.constant dense<0.000000e+00> : vector<2000x64xf32>
      %dot_general3A_106 = tpu.matmul %add3A_102, %get3A_105, %dot_general3A {dimension_numbers = #tpu.dot_dimension_numbers<[1], [1], [0], [0], [0, 0, 1, 0], [], []>, precision = #tpu.contract_precision<fp32>, transpose_lhs_hint = false} : vector<2000x128xf32>, vector<64x128xf32>, vector<2000x64xf32> -> vector<2000x64xf32>
      %get3A_107 = arith.constant 0 : index
      %get3A_108 = arith.constant 0 : index
      %get3A_109 = vector.load %arg10[%get3A_107, %get3A_108] : memref<1x64xf32, #tpu.memory_space<vmem>>, vector<1x64xf32>
      %add3A_110 = vector.broadcast %get3A_109 : vector<1x64xf32> to vector<2000x64xf32>
      %add3A_111 = arith.addf %dot_general3A_106, %add3A_110 : vector<2000x64xf32>
      %ge3A_112 = arith.constant 0.000000e+00 : f32
      %ge3A_113 = vector.broadcast %ge3A_112 : f32 to vector<2000x64xf32>
      %ge3A_114 = arith.cmpf oge, %add3A_111, %ge3A_113 : vector<2000x64xf32>
      %mul3A_115 = arith.constant 1.000000e-01 : f32
      %mul3A_116 = vector.broadcast %mul3A_115 : f32 to vector<2000x64xf32>
      %mul3A_117 = arith.mulf %mul3A_116, %add3A_111 : vector<2000x64xf32>
      %select_n3A_118 = arith.select %ge3A_114, %add3A_111, %mul3A_117 : vector<2000x64xi1>, vector<2000x64xf32>
      %get3A_119 = arith.constant 0 : index
      %get3A_120 = arith.constant 0 : index
      %get3A_121 = vector.load %arg11[%get3A_119, %get3A_120] : memref<16x64xf32, #tpu.memory_space<vmem>>, vector<16x64xf32>
      %dot_general3A_122 = arith.constant dense<0.000000e+00> : vector<2000x16xf32>
      %dot_general3A_123 = tpu.matmul %select_n3A_118, %get3A_121, %dot_general3A_122 {dimension_numbers = #tpu.dot_dimension_numbers<[1], [1], [0], [0], [0, 0, 1, 0], [], []>, precision = #tpu.contract_precision<fp32>, transpose_lhs_hint = false} : vector<2000x64xf32>, vector<16x64xf32>, vector<2000x16xf32> -> vector<2000x16xf32>
      %get3A_124 = arith.constant 0 : index
      %get3A_125 = arith.constant 0 : index
      %get3A_126 = vector.load %arg12[%get3A_124, %get3A_125] : memref<1x16xf32, #tpu.memory_space<vmem>>, vector<1x16xf32>
      %add3A_127 = vector.broadcast %get3A_126 : vector<1x16xf32> to vector<2000x16xf32>
      %add3A_128 = arith.addf %dot_general3A_123, %add3A_127 : vector<2000x16xf32>
      %iota3A = tpu.iota {dimensions = array<i32: 1>} : vector<2000x16xi32>
      %lt3A = arith.constant 10 : i32
      %lt3A_129 = vector.broadcast %lt3A : i32 to vector<2000x16xi32>
      %lt3A_130 = arith.cmpi slt, %iota3A, %lt3A_129 : vector<2000x16xi32>
      %jit3A = arith.constant -1.000000e+30 : f32
      %broadcast_in_dim3A = vector.broadcast %jit3A : f32 to vector<2000x16xf32>
      %select_n3A_131 = arith.select %lt3A_130, %add3A_128, %broadcast_in_dim3A : vector<2000x16xi1>, vector<2000x16xf32>
      %reduce_max3A = arith.constant dense<0xFF800000> : vector<2000xf32>
      %reduce_max3A_132 = vector.multi_reduction <maximumf>, %select_n3A_131, %reduce_max3A [1] : vector<2000x16xf32> to vector<2000xf32>
      %broadcast_in_dim3A_133 = vector.shape_cast %reduce_max3A_132 : vector<2000xf32> to vector<2000x1xf32>
      %sub3A_134 = vector.broadcast %broadcast_in_dim3A_133 : vector<2000x1xf32> to vector<2000x16xf32>
      %sub3A_135 = arith.subf %add3A_128, %sub3A_134 : vector<2000x16xf32>
      %exp3A = math.exp %sub3A_135 : vector<2000x16xf32>
      %jit3A_136 = arith.constant 0.000000e+00 : f32
      %broadcast_in_dim3A_137 = vector.broadcast %jit3A_136 : f32 to vector<2000x16xf32>
      %select_n3A_138 = arith.select %lt3A_130, %exp3A, %broadcast_in_dim3A_137 : vector<2000x16xi1>, vector<2000x16xf32>
      %reduce_sum3A = arith.constant dense<0.000000e+00> : vector<2000xf32>
      %reduce_sum3A_139 = vector.multi_reduction <add>, %select_n3A_138, %reduce_sum3A [1] : vector<2000x16xf32> to vector<2000xf32>
      %broadcast_in_dim3A_140 = vector.shape_cast %reduce_sum3A_139 : vector<2000xf32> to vector<2000x1xf32>
      %div3A = vector.broadcast %broadcast_in_dim3A_140 : vector<2000x1xf32> to vector<2000x16xf32>
      %div3A_141 = arith.divf %select_n3A_138, %div3A : vector<2000x16xf32>
      %sub3A_142 = arith.constant 1.000000e+00 : f32
      %sub3A_143 = vector.broadcast %sub3A_142 : f32 to vector<2000x16xf32>
      %sub3A_144 = arith.subf %sub3A_143, %div3A_141 : vector<2000x16xf32>
      %broadcast_in_dim3A_145 = arith.constant 1.000000e+00 : f32
      %broadcast_in_dim3A_146 = vector.broadcast %broadcast_in_dim3A_145 : f32 to vector<2000x1xf32>
      %slice3A_147 = vector.extract_strided_slice %sub3A_144 {offsets = [0, 0], sizes = [2000, 15], strides = [1, 1]} : vector<2000x16xf32> to vector<2000x15xf32>
      %concatenate3A_148 = tpu.concatenate %broadcast_in_dim3A_146, %slice3A_147 in 1 : vector<2000x1xf32>, vector<2000x15xf32> -> vector<2000x16xf32>
      %mul3A_149 = arith.mulf %sub3A_144, %concatenate3A_148 : vector<2000x16xf32>
      %broadcast_in_dim3A_150 = arith.constant 1.000000e+00 : f32
      %broadcast_in_dim3A_151 = vector.broadcast %broadcast_in_dim3A_150 : f32 to vector<2000x2xf32>
      %slice3A_152 = vector.extract_strided_slice %mul3A_149 {offsets = [0, 0], sizes = [2000, 14], strides = [1, 1]} : vector<2000x16xf32> to vector<2000x14xf32>
      %concatenate3A_153 = tpu.concatenate %broadcast_in_dim3A_151, %slice3A_152 in 1 : vector<2000x2xf32>, vector<2000x14xf32> -> vector<2000x16xf32>
      %mul3A_154 = arith.mulf %mul3A_149, %concatenate3A_153 : vector<2000x16xf32>
      %broadcast_in_dim3A_155 = arith.constant 1.000000e+00 : f32
      %broadcast_in_dim3A_156 = vector.broadcast %broadcast_in_dim3A_155 : f32 to vector<2000x4xf32>
      %slice3A_157 = vector.extract_strided_slice %mul3A_154 {offsets = [0, 0], sizes = [2000, 12], strides = [1, 1]} : vector<2000x16xf32> to vector<2000x12xf32>
      %concatenate3A_158 = tpu.concatenate %broadcast_in_dim3A_156, %slice3A_157 in 1 : vector<2000x4xf32>, vector<2000x12xf32> -> vector<2000x16xf32>
      %mul3A_159 = arith.mulf %mul3A_154, %concatenate3A_158 : vector<2000x16xf32>
      %broadcast_in_dim3A_160 = arith.constant 1.000000e+00 : f32
      %broadcast_in_dim3A_161 = vector.broadcast %broadcast_in_dim3A_160 : f32 to vector<2000x8xf32>
      %slice3A_162 = vector.extract_strided_slice %mul3A_159 {offsets = [0, 0], sizes = [2000, 8], strides = [1, 1]} : vector<2000x16xf32> to vector<2000x8xf32>
      %concatenate3A_163 = tpu.concatenate %broadcast_in_dim3A_161, %slice3A_162 in 1 : vector<2000x8xf32>, vector<2000x8xf32> -> vector<2000x16xf32>
      %mul3A_164 = arith.mulf %mul3A_159, %concatenate3A_163 : vector<2000x16xf32>
      %swap3A = arith.constant 0 : index
      %swap3A_165 = arith.constant 0 : index
      %swap3A_166 = vector.load %arg13[%swap3A, %swap3A_165] : memref<2000x16xf32, #tpu.memory_space<vmem>>, vector<2000x16xf32>
      tpu.vector_store %arg13[%swap3A, %swap3A_165], %div3A_141 {strides = array<i32>} : memref<2000x16xf32, #tpu.memory_space<vmem>>, vector<2000x16xf32>,
      %swap3A_167 = arith.constant 0 : index
      %swap3A_168 = arith.constant 0 : index
      %swap3A_169 = vector.load %arg14[%swap3A_167, %swap3A_168] : memref<2000x16xf32, #tpu.memory_space<vmem>>, vector<2000x16xf32>
      tpu.vector_store %arg14[%swap3A_167, %swap3A_168], %mul3A_164 {strides = array<i32>} : memref<2000x16xf32, #tpu.memory_space<vmem>>, vector<2000x16xf32>,
    } else {
    }
    return
  }
  func.func @transform_0(%arg0: i32, %arg1: i32) -> (i32, i32) {
    %c0_i32 = arith.constant 0 : i32
    %c0_i32_0 = arith.constant 0 : i32
    return %arg1, %c0_i32 : i32, i32
  }
  func.func @transform_1(%arg0: i32, %arg1: i32) -> (i32, i32) {
    %c0_i32 = arith.constant 0 : i32
    %c0_i32_0 = arith.constant 0 : i32
    return %arg1, %c0_i32 : i32, i32
  }
  func.func @transform_2(%arg0: i32, %arg1: i32) -> (i32, i32, i32) {
    %c0_i32 = arith.constant 0 : i32
    %c0_i32_0 = arith.constant 0 : i32
    %c0_i32_1 = arith.constant 0 : i32
    return %c0_i32, %arg1, %c0_i32_0 : i32, i32, i32
  }
  func.func @transform_3(%arg0: i32, %arg1: i32) -> (i32, i32, i32) {
    %c0_i32 = arith.constant 0 : i32
    %c0_i32_0 = arith.constant 0 : i32
    %c0_i32_1 = arith.constant 0 : i32
    return %c0_i32, %arg1, %c0_i32_0 : i32, i32, i32
  }
  func.func @transform_4(%arg0: i32, %arg1: i32) -> (i32, i32) {
    %c0_i32 = arith.constant 0 : i32
    %c0_i32_0 = arith.constant 0 : i32
    %c0_i32_1 = arith.constant 0 : i32
    return %c0_i32, %c0_i32_0 : i32, i32
  }
  func.func @transform_5(%arg0: i32, %arg1: i32) -> (i32, i32) {
    %c0_i32 = arith.constant 0 : i32
    %c0_i32_0 = arith.constant 0 : i32
    %c0_i32_1 = arith.constant 0 : i32
    return %c0_i32, %c0_i32_0 : i32, i32
  }
  func.func @transform_6(%arg0: i32, %arg1: i32) -> (i32, i32) {
    %c0_i32 = arith.constant 0 : i32
    %c0_i32_0 = arith.constant 0 : i32
    %c0_i32_1 = arith.constant 0 : i32
    return %c0_i32, %c0_i32_0 : i32, i32
  }
  func.func @transform_7(%arg0: i32, %arg1: i32) -> (i32, i32) {
    %c0_i32 = arith.constant 0 : i32
    %c0_i32_0 = arith.constant 0 : i32
    %c0_i32_1 = arith.constant 0 : i32
    return %c0_i32, %c0_i32_0 : i32, i32
  }
  func.func @transform_8(%arg0: i32, %arg1: i32) -> (i32, i32) {
    %c0_i32 = arith.constant 0 : i32
    %c0_i32_0 = arith.constant 0 : i32
    %c0_i32_1 = arith.constant 0 : i32
    return %c0_i32, %c0_i32_0 : i32, i32
  }
  func.func @transform_9(%arg0: i32, %arg1: i32) -> (i32, i32) {
    %c0_i32 = arith.constant 0 : i32
    %c0_i32_0 = arith.constant 0 : i32
    %c0_i32_1 = arith.constant 0 : i32
    return %c0_i32, %c0_i32_0 : i32, i32
  }
  func.func @transform_10(%arg0: i32, %arg1: i32) -> (i32, i32) {
    %c0_i32 = arith.constant 0 : i32
    %c0_i32_0 = arith.constant 0 : i32
    %c0_i32_1 = arith.constant 0 : i32
    return %c0_i32, %c0_i32_0 : i32, i32
  }
  func.func @transform_11(%arg0: i32, %arg1: i32) -> (i32, i32) {
    %c0_i32 = arith.constant 0 : i32
    %c0_i32_0 = arith.constant 0 : i32
    return %arg1, %c0_i32 : i32, i32
  }
  func.func @transform_12(%arg0: i32, %arg1: i32) -> (i32, i32) {
    %c0_i32 = arith.constant 0 : i32
    %c0_i32_0 = arith.constant 0 : i32
    return %arg1, %c0_i32 : i32, i32
  }
}

</mosaic_0001>

<sc_bundles>
// kernel: kernel.6.cloned.1.call-start
scs
__scs_entry_jumppad:
0x0: {  	(pc) =	sbr.rel $0x88, $3  }
0x1: {  	(tag) =	ssettag $0x0;
	lr =	simm.s32 $0x1  }
0x2: {  	[smem:$0x3F97] =	sst lr;
	_ =	strace $0xD0000000  }
0x3: {  	_ = 	snop  }
0x4: {  	_ = 	snop  }
0x5: {  	_ = 	snop  }
0x6: {  	_ = 	snop  }
0x7: {  	_ = 	snop  }
__scs_overlays_trampoline_lowered:
0x8: {  	[smem:$0x3FA6] =	sst s0  }
0x9: {  	[smem:$0x3FA7] =	sst s1  }
0xa: {  	[smem:$0x3FA8] =	sst s2  }
0xb: {  	[smem:$0x3FA9] =	sst s3  }
0xc: {  	[smem:$0x3FAA] =	sst s4  }
0xd: {  	[smem:$0x3FAB] =	sst s5  }
0xe: {  	[smem:$0x3FAC] =	sst s6  }
0xf: {  	[smem:$0x3FAD] =	sst s7  }
0x10: {  	[smem:$0x3FAE] =	sst s8  }
0x11: {  	[smem:$0x3FAF] =	sst s9;
	s0 =	simm.s32 @!p0 $0x0  }
0x12: {  	s1 =	sld [smem:$0x3F95];
	s0 =	simm.s32 @p0 $0x1  }
0x13: {  	[smem:$0x3FB0] =	sst s0;
	s0 =	simm.s32 @!p1 $0x0  }
0x14: {  	s2 =	sld [smem:$0x3F94];
	s0 =	simm.s32 @p1 $0x1  }
0x15: {  	[smem:$0x3FB1] =	sst s0;
	s0 =	simm.s32 @!p2 $0x0  }
0x16: {  	s3 =	sld [smem:$0x3FDB];
	s0 =	simm.s32 @p2 $0x1  }
0x17: {  	s4 =	simm.s32 $0x1BF5;
	[smem:$0x3FB3] =	sst s0  }
0x18: {  	s0 =	sld [smem:$0x3F96];
	_ =	swait.ge [sflag:s4], $0x0  }
0x19: {  	s7 =	sld [smem:$0x3F97]  }
0x1a: {  	s8 =	sadd.s32 $0xFFFFE003, lr  }
0x1b: {  	s9 =	sadd.s32 $0xFFFFFEF7, lr;
	s5 =	simm.s32 $0xFFFFFFFF;
	p2 =	slt.u32 s8, $0xFFFFF086  }
0x1c: {  	p1 =	slt.u32 s9, $0xF7A;
	s5 =	simm.s32 @!p2 $0x0  }
0x1d: {  	s5 =	simm.s32 @p1 $0x1;
	p0 =	seq.s32 s7, s2  }
0x1e: {  	s7 =	smul.u32 @!p0 $0xF7A, s2;
	p2 =	seq.s32 @!p0 s5, $0x0  }
0x1f: {  	s9 =	smul.u32 $0xF7A, s1;
	s8 =	simm.s32 @!p0 $0x1BF5;
	p2 =	por !p2, p0  }
0x20: {  	[sflag:s8] =	ssyncset.s32 @!p0 $0xFFFFF086;
	s6 =	sadd.s32 @!p0 s3, s7;
	s7 =	simm.s32 @!p0 $0x108  }
0x21: {  	s3 =	sadd.s32 s3, s9;
	s6 =	sadd.s32 @!p0 $0x88, s6;
	s7 =	simm.s32 @p2 $0x1082  }
0x22: {  	[simem:s7], [sflag:s8] =	dma.local @!p0 [hbm:s6], $0xF7A  }
0x23: {  	s9 =	sor.u32 $0xD0000000, s2;
	s6 =	simm.s32 $0x108;
	_ =	swait.ge @!p0 [sflag:s8], $0x0  }
0x24: {  	s3 =	sadd.s32 $0x88, s3;
	s6 =	simm.s32 @!p1 $0x1082;
	[sflag:s4] =	ssyncset.s32 $0xFFFFF086  }
0x25: {  	[simem:s6], [sflag:s4] =	dma.local [hbm:s3], $0xF7A  }
0x26: {  	[smem:$0x3F97] =	sst s1;
	(tag) =	ssettag s2;
	_ =	strace s9  }
0x27: {  	s1 =	sld [smem:$0x3FA7]  }
0x28: {  	s2 =	sld [smem:$0x3FA8]  }
0x29: {  	s4 =	sld [smem:$0x3FAA]  }
0x2a: {  	p0 =	seq.s32 s5, $0x0;
	s5 =	sld [smem:$0x3FAB]  }
0x2b: {  	s6 =	sld [smem:$0x3FAC]  }
0x2c: {  	s7 =	sld [smem:$0x3FAD]  }
0x2d: {  	s3 =	simm.s32 $0x108;
	s8 =	sld [smem:$0x3FAE]  }
0x2e: {  	s3 =	simm.s32 @!p0 $0x1082;
	s9 =	sld [smem:$0x3FAF]  }
0x2f: {  	lr =	sadd.s32 s0, s3;
	s0 =	sld [smem:$0x3FA6]  }
0x30: {  	s3 =	sld [smem:$0x3FA9]  }
0x31: {  	[smem:$0x3FB2] =	sst s10  }
0x32: {  	s10 =	sld [smem:$0x3FB0];
	_ =	sdelay $0x3  }
0x33: {  	p0 =	seq.s32 s10, $0x1;
	s10 =	sld [smem:$0x3FB2];
	_ =	sdelay $0x3  }
0x34: {  	[smem:$0x3FB2] =	sst s10  }
0x35: {  	s10 =	sld [smem:$0x3FB1];
	_ =	sdelay $0x3  }
0x36: {  	p1 =	seq.s32 s10, $0x1;
	s10 =	sld [smem:$0x3FB2];
	_ =	sdelay $0x3  }
0x37: {  	[smem:$0x3FB2] =	sst s10  }
0x38: {  	s10 =	sld [smem:$0x3FB3]  }
0x39: {  	_ = 	snop;
	(pc) =	sbr.ind lr, $3  }
0x3a: {  	_ = 	snop  }
0x3b: {  	_ = 	snop  }
0x3c: {  	p2 =	seq.s32 s10, $0x1;
	s10 =	sld [smem:$0x3FB2]  }
0x3d: {  	_ =	shalt  }
0x3e: {  	_ =	shalt  }
0x3f: {  	_ =	shalt  }
0x40: {  	_ =	shalt  }
0x41: {  	_ =	shalt  }
0x42: {  	_ =	shalt  }
0x43: {  	_ =	shalt  }
0x44: {  	_ =	shalt  }
0x45: {  	_ =	shalt  }
0x46: {  	_ =	shalt  }
0x47: {  	_ =	shalt  }
0x48: {  	_ =	shalt  }
0x49: {  	_ =	shalt  }
0x4a: {  	_ =	shalt  }
0x4b: {  	_ =	shalt  }
0x4c: {  	_ =	shalt  }
0x4d: {  	_ =	shalt  }
0x4e: {  	_ =	shalt  }
0x4f: {  	_ =	shalt  }
0x50: {  	_ =	shalt  }
0x51: {  	_ =	shalt  }
0x52: {  	_ =	shalt  }
0x53: {  	_ =	shalt  }
0x54: {  	_ =	shalt  }
0x55: {  	_ =	shalt  }
0x56: {  	_ =	shalt  }
0x57: {  	_ =	shalt  }
0x58: {  	_ =	shalt  }
0x59: {  	_ =	shalt  }
0x5a: {  	_ =	shalt  }
0x5b: {  	_ =	shalt  }
0x5c: {  	_ =	shalt  }
0x5d: {  	_ =	shalt  }
0x5e: {  	_ =	shalt  }
0x5f: {  	_ =	shalt  }
0x60: {  	_ =	shalt  }
0x61: {  	_ =	shalt  }
0x62: {  	_ =	shalt  }
0x63: {  	_ =	shalt  }
0x64: {  	_ =	shalt  }
0x65: {  	_ =	shalt  }
0x66: {  	_ =	shalt  }
0x67: {  	_ =	shalt  }
0x68: {  	_ =	shalt  }
0x69: {  	_ =	shalt  }
0x6a: {  	_ =	shalt  }
0x6b: {  	_ =	shalt  }
0x6c: {  	_ =	shalt  }
0x6d: {  	_ =	shalt  }
0x6e: {  	_ =	shalt  }
0x6f: {  	_ =	shalt  }
0x70: {  	_ =	shalt  }
0x71: {  	_ =	shalt  }
0x72: {  	_ =	shalt  }
0x73: {  	_ =	shalt  }
0x74: {  	_ =	shalt  }
0x75: {  	_ =	shalt  }
0x76: {  	_ =	shalt  }
0x77: {  	_ =	shalt  }
0x78: {  	_ =	shalt  }
0x79: {  	_ =	shalt  }
0x7a: {  	_ =	shalt  }
0x7b: {  	_ =	shalt  }
0x7c: {  	_ =	shalt  }
0x7d: {  	_ =	shalt  }
0x7e: {  	_ =	shalt  }
0x7f: {  	_ =	shalt  }
0x80: {  	_ =	shalt  }
0x81: {  	_ =	shalt  }
0x82: {  	_ =	shalt  }
0x83: {  	_ =	shalt  }
0x84: {  	_ =	shalt  }
0x85: {  	_ =	shalt  }
0x86: {  	_ =	shalt  }
0x87: {  	_ =	shalt  }
.Lfunc_end0:
.L_simem_size_0:
called_computation_lowered:
.L_overlay_start_0:
0x88: {  	s2 =	sld [smem:$0x3FD9]  }
0x89: {  	s3 =	sld [smem:$0x3FFE];
	_ =	sdelay $0x1  }
0x8a: {  	s1 =	srdreg.scid  }
0x8b: {  	s0 =	sand.u32 $0x1, s1  }
0x8c: {  	s14 =	sshll.u32 s0, $0xA;
	s2 =	sadd.s32 s3, s2  }
0x8d: {  	s2 =	sadd.s32 s2, s14  }
0x8e: {  	[smem:$0x3FBE] =	sst s2  }
0x8f: {  	_ = 	snop  }
0x90: {  	s2 =	sld [smem:$0x3FD0];
	_ =	sdelay $0x2  }
0x91: {  	s15 =	simm.s32 $0xA;
	s4 =	simm.s32 $0x10  }
0x92: {  	[smem:s4], [sflag:s15] =	dma.local [hbm:s2], $0x1  }
0x93: {  	_ =	swait.eq [sflag:s15], $0x1  }
0x94: {  	[sflag:s15] =	ssyncset.done $0x0  }
0x95: {  	s16 =	sld [smem:$0x10];
	[sflag:s15] =	ssyncadd.s32 $0xFFFFFFFF  }
0x96: {  	s17 =	sld [smem:$0x11];
	(tm) =	ssettm $0x1  }
0x97: {  	s18 =	sld [smem:$0x3FFB];
	_ =	sdelay $0x3  }
0x98: {  	_ =	strace s18  }
0x99: {  	s4 =	sld [smem:$0x3FFC];
	_ =	sdelay $0x3  }
0x9a: {  	_ =	strace s4  }
0x9b: {  	s4 =	sld [smem:$0x3FFD];
	_ =	sdelay $0x3  }
0x9c: {  	_ =	strace s4  }
0x9d: {  	_ =	strace $0x8FFFFFFF  }
0x9e: {  	s19 =	sld [smem:$0x3FDB];
	_ =	sdelay $0x1  }
0x9f: {  	s5 =	simm.s32 $_scs_section_size  }
0xa0: {  	s6 =	simm.s32 $_size__tile_overlayer_lowered;
	s7 =	simm.s32 $_tile_overlayer_lowered  }
0xa1: {  	s22 =	simm.s32 $0x1BFF;
	s21 =	sshll.u32 s7, $0x1;
	s4 =	sadd.s32 s5, s19  }
0xa2: {  	s8 =	simm.s32 $0x0;
	s20 =	sshll.u32 s6, $0x1;
	s6 =	sadd.s32 s21, s4  }
0xa3: {  	[timem:s8], [sflag:s22] =	dma.local [hbm:s6], s20  }
0xa4: {  	_ =	swait.ge [sflag:s22], s20  }
0xa5: {  	s5 =	ssub.s32 $0x0, s20;
	[sflag:s22] =	ssyncset.done $0x0  }
0xa6: {  	[sflag:s22] =	ssyncadd.s32 s5;
	_ =	sdelay $0x1  }
0xa7: {  	s23 =	simm.s32 $0x1B8B  }
0xa8: {  	_ =	swait.ge [sflag:s23], $0x1  }
0xa9: {  	[sflag:s23] =	ssyncset.done $0x0  }
0xaa: {  	s25 =	simm.s32 $0x1B8E;
	s24 =	sld [smem:$0x3FFE];
	[sflag:s23] =	ssyncadd.s32 $0xFFFFFFFF  }
0xab: {  	s26 =	simm.s32 $execute0_lowered;
	[smem:$0x3FD2] =	sst s25  }
0xac: {  	s6 =	sshll.u32 s26, $0x1;
	_ =	strace $0x80000046;
	[dreg:$0x1] =	wrdreg $0xFFFFFFFF  }
0xad: {  	s28 =	simm.s32 $_size_execute0_lowered;
	s4 =	sadd.s32 s4, s6;
	[dreg:$0x0] =	wrdreg $0x0  }
0xae: {  	s6 =	sshll.u32 s28, $0x1;
	[dreg:$0x2] =	wrdreg s4  }
0xaf: {  	[dreg:$0x3] =	wrdreg s6  }
0xb0: {  	[dreg:$0x4] =	wrdreg $0xC0  }
0xb1: {  	_ =	task [dreg:s8], $0x5FFFF  }
0xb2: {  	[dreg:$0x1] =	wrdreg $0xFFFFFFFF  }
0xb3: {  	[dreg:$0x0] =	wrdreg $0x60  }
0xb4: {  	[dreg:$0x2] =	wrdreg s24  }
0xb5: {  	[dreg:$0x3] =	wrdreg s17  }
0xb6: {  	[dreg:$0x4] =	wrdreg s16  }
0xb7: {  	[dreg:$0x5] =	wrdreg $0x68000  }
0xb8: {  	[dreg:$0x6] =	wrdreg $0x9  }
0xb9: {  	_ =	task.clear_ibuf [dreg:s8], $0x7FFFF;
	_ =	strace $0x90000046  }
0xba: {  	s29 =	simm.s32 $0x9;
	_ =	strace $0x80000048  }
0xbb: {  	_ =	swait.ge [sflag:s29], $0x1  }
0xbc: {  	[sflag:s29] =	ssyncadd.s32 $0xFFFFFFFF  }
0xbd: {  	_ =	strace $0x90000048  }
0xbe: {  	_ =	sfence  }
0xbf: {  	s30 =	sld [smem:$0x0];
	_ =	sdelay $0x2  }
0xc0: {  	s31 =	sshll.u32 s1, $0xD;
	s1 =	sshrl.u32 s1, $0x2  }
0xc1: {  	s3 =	sand.u32 $0x4000, s31;
	s1 =	sadd.s32 s1, s30  }
0xc2: {  	s0 =	sor.u32 s3, s0;
	s1 =	sshll.u32 s1, $0x11  }
0xc3: {  	s0 =	sor.u32 s1, s0  }
0xc4: {  	s0 =	sadd.s32 $0x8F2B, s0  }
0xc5: {  	[sflag:s0] =	ssyncadd.remote.s32 $0x1  }
0xc6: {  	_ =	sfence.sel $0xFFFF  }
0xc7: {  	[dreg:$0x0] =	wrdreg $0xFFFFFFFF;
	(pc) =	sbr.abs _section_cstart, $3  }
0xc8: {  	[dreg:$0x1] =	wrdreg $0xFFFFFFFF  }
0xc9: {  	_ =	task.clear_ibuf [dreg:s8], $0x2FFFF;
	_ =	strace $0x9FFFFFFF  }
0xca: {  	(tm) =	ssettm $0x7FFFFFFF  }
0xcb: {  	_ =	shalt  }
tec
execute0_lowered:
.L_overlay_start_1:
0x0: {  	(tag) =	ssettag $0x1  }
0x1: {  	s6 =	rddreg [dreg:$0x0]  }
0x2: {  	s2 =	srdreg.scid;
	s1 =	rddreg [dreg:$0x1]  }
0x3: {  	s0 =	stileid.u32;
	s3 =	rddreg [dreg:$0x2]  }
0x4: {  	s4 =	rddreg [dreg:$0x3];
	s5 =	simm.s32 $0x0;
	s15 =	simm.s32 $0x2  }
0x5: {  	s16 =	simm.s32 $0x80;
	s17 =	simm.s32 $0x1;
	s20 =	simm.s32 $0x0  }
0x6: {  	s7 =	sand.u32 $0x1, s2;
	s28 =	sshll.u32 s0, $0x1;
	s10 =	smul.u32 $0x14000, s0  }
0x7: {  	[smem:$0x7FF] =	sst s5;
	s11 =	smul.u32 $0x50000, s0;
	s18 =	sshll.u32 s0, $0x6  }
0x8: {  	s2 =	sor.u32 s7, s28;
	s9 =	smul.u32 $0x140000, s7;
	s7 =	ssub.s32 $0x2, s7  }
0x9: {  	s18 =	sor.u32 $0x1C02, s18;
	s8 =	smul.u32 $0x500, s2;
	s2 =	rddreg [dreg:$0x4]  }
0xa: {  	_ =	strace $0x80000047;
	s30 =	sshrl.u32 s7, $0x1;
	s29 =	sadd.s32 s10, s9  }
0xb: {  	s31 =	sshrl.u32 s11, $0x2;
	s12 =	sadd.s32 s8, s6;
	s8 =	sshrl.u32 s29, $0x3  }
0xc: {  	s14 =	ssub.s32 s7, s30;
	s13 =	sadd.s32 s8, s6;
	s6 =	sadd.s32 s31, s4  }
0xd: {  	s11 =	sadd.s32 $0x2800, s12;
	s7 =	sadd.s32 $0x4000, s6;
	s8 =	sadd.s32 $0x8000, s6  }
0xe: {  	s9 =	sadd.s32 $0xC000, s6;
	s10 =	sadd.s32 $0x10000, s6;
	s12 =	sadd.s32 $0xC800, s13  }
0xf: {  	s13 =	smax.u32 s14, $0x1;
	s14 =	simm.s32 $0x2800;
	s19 =	sshrl.u32 s6, $0x3  }
.LBB2_1:
0x10: {  	[tilespmem:s14], [sflag:$0x2] =	stream.linear.gather [hbm4b:s1+s5], $0x4000, $0x38;
	[tilespmem:$0x9000] =	vst v63  }
0x11: {  	_ =	swait.ge [sflag:s15], $0x4000  }
0x12: {  	[sflag:s15] =	ssyncset.done $0x0  }
0x13: {  	[sflag:s15] =	ssyncadd.s32 $0xFFFFC000  }
0x14: {  	[spmem:s6] =	stream.linear.scatter [tilespmem:s14], [sflag:$0x2], $0x4000, $0x38;
	[tilespmem:$0x9000] =	vst v63  }
0x15: {  	_ =	swait.ge [sflag:s15], $0x4000  }
0x16: {  	[sflag:s15] =	ssyncset.done $0x0  }
0x17: {  	[sflag:s15] =	ssyncadd.s32 $0xFFFFC000  }
0x18: {  	[spmem:s7] =	stream.linear.scatter [tilespmem:s14], [sflag:$0x2], $0x4000, $0x38;
	[tilespmem:$0x9000] =	vst v63  }
0x19: {  	_ =	swait.ge [sflag:s15], $0x4000  }
0x1a: {  	[sflag:s15] =	ssyncset.done $0x0  }
0x1b: {  	[sflag:s15] =	ssyncadd.s32 $0xFFFFC000  }
0x1c: {  	[spmem:s8] =	stream.linear.scatter [tilespmem:s14], [sflag:$0x2], $0x4000, $0x38;
	[tilespmem:$0x9000] =	vst v63  }
0x1d: {  	_ =	swait.ge [sflag:s15], $0x4000  }
0x1e: {  	[sflag:s15] =	ssyncset.done $0x0  }
0x1f: {  	[sflag:s15] =	ssyncadd.s32 $0xFFFFC000  }
0x20: {  	[spmem:s9] =	stream.linear.scatter [tilespmem:s14], [sflag:$0x2], $0x4000, $0x38;
	[tilespmem:$0x9000] =	vst v63  }
0x21: {  	_ =	swait.ge [sflag:s15], $0x4000  }
0x22: {  	[sflag:s15] =	ssyncset.done $0x0  }
0x23: {  	[sflag:s15] =	ssyncadd.s32 $0xFFFFC000  }
0x24: {  	[spmem:s10] =	stream.linear.scatter [tilespmem:s14], [sflag:$0x2], $0x4000, $0x38;
	[tilespmem:$0x9000] =	vst v63  }
0x25: {  	_ =	swait.ge [sflag:s15], $0x4000  }
0x26: {  	[sflag:s15] =	ssyncset.done $0x0  }
0x27: {  	[sflag:s15] =	ssyncadd.s32 $0xFFFFC000  }
0x28: {  	[tilespmem:s14], [sflag:$0x2] =	stream.linear.gather [hbm4b:s3+s5], $0x4000, $0x38;
	[tilespmem:$0x9000] =	vst v63  }
0x29: {  	_ =	swait.ge [sflag:s15], $0x4000  }
0x2a: {  	[sflag:s15] =	ssyncset.done $0x0  }
0x2b: {  	[sflag:s15] =	ssyncadd.s32 $0xFFFFC000  }
0x2c: {  	[tilespmem:s5], [sflag:$0x2] =	stream.linear.gather [hbm4b:s11+s5], $0x2800, $0x38;
	[tilespmem:$0x9000] =	vst v63  }
0x2d: {  	_ =	swait.ge [sflag:s15], $0x2800  }
0x2e: {  	[sflag:s15] =	ssyncset.done $0x0  }
0x2f: {  	[sflag:s15] =	ssyncadd.s32 $0xFFFFD800  }
0x30: {  	s21 =	simm.s32 $0x0;
	[bflag:$0x0] =	sbarrier.arrive $0xFFFF  }
0x31: {  	[spmem:s4] =	stream.indirect.scatter.add.f32 [tilespmem:s14], [sflag:$0x1], $0x10, s21, s16, $0xb8;
	[tilespmem:$0x9000] =	vst v63  }
0x32: {  	s24 =	simm.s32 $0x80  }
0x33: {  	[spmem:s4] =	stream.indirect.scatter.add.f32 [tilespmem:s14], [sflag:$0x1], $0x10, s24, s16, $0xb8;
	[tilespmem:$0x9000] =	vst v63  }
0x34: {  	s25 =	simm.s32 $0x100  }
0x35: {  	[spmem:s4] =	stream.indirect.scatter.add.f32 [tilespmem:s14], [sflag:$0x1], $0x10, s25, s16, $0xb8;
	[tilespmem:$0x9000] =	vst v63  }
0x36: {  	s26 =	simm.s32 $0x180  }
0x37: {  	[spmem:s4] =	stream.indirect.scatter.add.f32 [tilespmem:s14], [sflag:$0x1], $0x10, s26, s16, $0xb8;
	[tilespmem:$0x9000] =	vst v63  }
0x38: {  	s28 =	simm.s32 $0x200  }
0x39: {  	[spmem:s4] =	stream.indirect.scatter.add.f32 [tilespmem:s14], [sflag:$0x1], $0x10, s28, s16, $0xb8;
	[tilespmem:$0x9000] =	vst v63  }
0x3a: {  	s29 =	simm.s32 $0x280  }
0x3b: {  	[spmem:s4] =	stream.indirect.scatter.add.f32 [tilespmem:s14], [sflag:$0x1], $0x10, s29, s16, $0xb8;
	[tilespmem:$0x9000] =	vst v63  }
0x3c: {  	s30 =	simm.s32 $0x300  }
0x3d: {  	[spmem:s4] =	stream.indirect.scatter.add.f32 [tilespmem:s14], [sflag:$0x1], $0x10, s30, s16, $0xb8;
	[tilespmem:$0x9000] =	vst v63  }
0x3e: {  	s31 =	simm.s32 $0x380  }
0x3f: {  	[spmem:s4] =	stream.indirect.scatter.add.f32 [tilespmem:s14], [sflag:$0x1], $0x10, s31, s16, $0xb8;
	[tilespmem:$0x9000] =	vst v63  }
0x40: {  	_ =	swait.ge [sflag:s17], $0x800  }
0x41: {  	[sflag:s17] =	ssyncset.done $0x0  }
0x42: {  	[sflag:s17] =	ssyncadd.s32 $0xFFFFF800  }
0x43: {  	_ =	swait.ge [sflag:s17], $0x800  }
0x44: {  	[sflag:s17] =	ssyncset.done $0x0  }
0x45: {  	[sflag:s17] =	ssyncadd.s32 $0xFFFFF800  }
0x46: {  	_ =	swait.ge [sflag:s17], $0x800  }
0x47: {  	[sflag:s17] =	ssyncset.done $0x0  }
0x48: {  	[sflag:s17] =	ssyncadd.s32 $0xFFFFF800  }
0x49: {  	_ =	swait.ge [sflag:s17], $0x800  }
0x4a: {  	[sflag:s17] =	ssyncset.done $0x0  }
0x4b: {  	[sflag:s17] =	ssyncadd.s32 $0xFFFFF800  }
0x4c: {  	_ =	swait.ge [sflag:s17], $0x800  }
0x4d: {  	[sflag:s17] =	ssyncset.done $0x0  }
0x4e: {  	[sflag:s17] =	ssyncadd.s32 $0xFFFFF800  }
0x4f: {  	_ =	swait.ge [sflag:s17], $0x800  }
0x50: {  	[sflag:s17] =	ssyncset.done $0x0  }
0x51: {  	[sflag:s17] =	ssyncadd.s32 $0xFFFFF800  }
0x52: {  	_ =	swait.ge [sflag:s17], $0x800  }
0x53: {  	[sflag:s17] =	ssyncset.done $0x0  }
0x54: {  	[sflag:s17] =	ssyncadd.s32 $0xFFFFF800  }
0x55: {  	_ =	swait.ge [sflag:s17], $0x800  }
0x56: {  	s23 =	simm.s32 $0x2000;
	s21 =	simm.s32 $0x1000;
	[sflag:s17] =	ssyncset.done $0x0  }
.LBB2_2:
0x57: {  	s24 =	sshra.s32 s21, $0x2  }
0x58: {  	[sflag:s17] =	ssyncadd.s32 $0xFFFFF800;
	s21 =	smov.u32 s23;
	s22 =	sadd.s32 $0x1000, s23  }
0x59: {  	[spmem:s4] =	stream.indirect.scatter.add.f32 [tilespmem:s14], [sflag:$0x1], $0x10, s24, s16, $0xb8;
	[tilespmem:$0x9000] =	vst v63  }
0x5a: {  	p0 =	sne.s32 s23, $0x9000;
	s23 =	sadd.s32 $0x80, s24  }
0x5b: {  	[spmem:s4] =	stream.indirect.scatter.add.f32 [tilespmem:s14], [sflag:$0x1], $0x10, s23, s16, $0xb8;
	[tilespmem:$0x9000] =	vst v63  }
0x5c: {  	s23 =	sadd.s32 $0x100, s24  }
0x5d: {  	[spmem:s4] =	stream.indirect.scatter.add.f32 [tilespmem:s14], [sflag:$0x1], $0x10, s23, s16, $0xb8;
	[tilespmem:$0x9000] =	vst v63  }
0x5e: {  	s23 =	sadd.s32 $0x180, s24  }
0x5f: {  	[spmem:s4] =	stream.indirect.scatter.add.f32 [tilespmem:s14], [sflag:$0x1], $0x10, s23, s16, $0xb8;
	[tilespmem:$0x9000] =	vst v63  }
0x60: {  	s23 =	sadd.s32 $0x200, s24  }
0x61: {  	[spmem:s4] =	stream.indirect.scatter.add.f32 [tilespmem:s14], [sflag:$0x1], $0x10, s23, s16, $0xb8;
	[tilespmem:$0x9000] =	vst v63  }
0x62: {  	s23 =	sadd.s32 $0x280, s24  }
0x63: {  	[spmem:s4] =	stream.indirect.scatter.add.f32 [tilespmem:s14], [sflag:$0x1], $0x10, s23, s16, $0xb8;
	[tilespmem:$0x9000] =	vst v63  }
0x64: {  	s23 =	sadd.s32 $0x300, s24  }
0x65: {  	[spmem:s4] =	stream.indirect.scatter.add.f32 [tilespmem:s14], [sflag:$0x1], $0x10, s23, s16, $0xb8;
	[tilespmem:$0x9000] =	vst v63  }
0x66: {  	s23 =	sadd.s32 $0x380, s24  }
0x67: {  	[spmem:s4] =	stream.indirect.scatter.add.f32 [tilespmem:s14], [sflag:$0x1], $0x10, s23, s16, $0xb8;
	[tilespmem:$0x9000] =	vst v63  }
0x68: {  	_ =	swait.ge [sflag:s17], $0x800  }
0x69: {  	[sflag:s17] =	ssyncset.done $0x0  }
0x6a: {  	[sflag:s17] =	ssyncadd.s32 $0xFFFFF800  }
0x6b: {  	_ =	swait.ge [sflag:s17], $0x800  }
0x6c: {  	[sflag:s17] =	ssyncset.done $0x0  }
0x6d: {  	[sflag:s17] =	ssyncadd.s32 $0xFFFFF800  }
0x6e: {  	_ =	swait.ge [sflag:s17], $0x800  }
0x6f: {  	[sflag:s17] =	ssyncset.done $0x0  }
0x70: {  	[sflag:s17] =	ssyncadd.s32 $0xFFFFF800  }
0x71: {  	_ =	swait.ge [sflag:s17], $0x800  }
0x72: {  	[sflag:s17] =	ssyncset.done $0x0  }
0x73: {  	[sflag:s17] =	ssyncadd.s32 $0xFFFFF800  }
0x74: {  	_ =	swait.ge [sflag:s17], $0x800  }
0x75: {  	[sflag:s17] =	ssyncset.done $0x0  }
0x76: {  	[sflag:s17] =	ssyncadd.s32 $0xFFFFF800  }
0x77: {  	_ =	swait.ge [sflag:s17], $0x800  }
0x78: {  	[sflag:s17] =	ssyncset.done $0x0  }
0x79: {  	[sflag:s17] =	ssyncadd.s32 $0xFFFFF800  }
.Ltmp0:
0x7a: {  	_ =	swait.ge [sflag:s17], $0x800;
	(pc) =	sbr.rel @p0 .LBB2_2-.Ltmp0, $4  }
0x7b: {  	[sflag:s17] =	ssyncset.done $0x0  }
0x7c: {  	[sflag:s17] =	ssyncadd.s32 $0xFFFFF800  }
0x7d: {  	_ =	swait.ge [sflag:s17], $0x800  }
0x7e: {  	s23 =	smov.u32 s22;
	[sflag:s17] =	ssyncset.done $0x0  }
0x7f: {  	s21 =	sshra.s32 s21, $0x2;
	[sflag:s17] =	ssyncadd.s32 $0xFFFFF800  }
0x80: {  	[spmem:s4] =	stream.indirect.scatter.add.f32 [tilespmem:s14], [sflag:$0x1], $0x10, s21, s16, $0xb8;
	[tilespmem:$0x9000] =	vst v63  }
0x81: {  	s22 =	sadd.s32 $0x80, s21  }
0x82: {  	[spmem:s4] =	stream.indirect.scatter.add.f32 [tilespmem:s14], [sflag:$0x1], $0x10, s22, s16, $0xb8;
	[tilespmem:$0x9000] =	vst v63  }
0x83: {  	s26 =	sadd.s32 $0x100, s21  }
0x84: {  	[spmem:s4] =	stream.indirect.scatter.add.f32 [tilespmem:s14], [sflag:$0x1], $0x10, s26, s16, $0xb8;
	[tilespmem:$0x9000] =	vst v63  }
0x85: {  	s28 =	sadd.s32 $0x180, s21  }
0x86: {  	[spmem:s4] =	stream.indirect.scatter.add.f32 [tilespmem:s14], [sflag:$0x1], $0x10, s28, s16, $0xb8;
	[tilespmem:$0x9000] =	vst v63  }
0x87: {  	s29 =	sadd.s32 $0x200, s21  }
0x88: {  	[spmem:s4] =	stream.indirect.scatter.add.f32 [tilespmem:s14], [sflag:$0x1], $0x10, s29, s16, $0xb8;
	[tilespmem:$0x9000] =	vst v63  }
0x89: {  	s30 =	sadd.s32 $0x280, s21  }
0x8a: {  	[spmem:s4] =	stream.indirect.scatter.add.f32 [tilespmem:s14], [sflag:$0x1], $0x10, s30, s16, $0xb8;
	[tilespmem:$0x9000] =	vst v63  }
0x8b: {  	s31 =	sadd.s32 $0x300, s21  }
0x8c: {  	[spmem:s4] =	stream.indirect.scatter.add.f32 [tilespmem:s14], [sflag:$0x1], $0x10, s31, s16, $0xb8;
	[tilespmem:$0x9000] =	vst v63  }
0x8d: {  	s21 =	sadd.s32 $0x380, s21  }
0x8e: {  	[spmem:s4] =	stream.indirect.scatter.add.f32 [tilespmem:s14], [sflag:$0x1], $0x10, s21, s16, $0xb8;
	[tilespmem:$0x9000] =	vst v63  }
0x8f: {  	_ =	swait.ge [sflag:s17], $0x800  }
0x90: {  	[sflag:s17] =	ssyncset.done $0x0  }
0x91: {  	[sflag:s17] =	ssyncadd.s32 $0xFFFFF800  }
0x92: {  	_ =	swait.ge [sflag:s17], $0x800  }
0x93: {  	[sflag:s17] =	ssyncset.done $0x0  }
0x94: {  	[sflag:s17] =	ssyncadd.s32 $0xFFFFF800  }
0x95: {  	_ =	swait.ge [sflag:s17], $0x800  }
0x96: {  	[sflag:s17] =	ssyncset.done $0x0  }
0x97: {  	[sflag:s17] =	ssyncadd.s32 $0xFFFFF800  }
0x98: {  	_ =	swait.ge [sflag:s17], $0x800  }
0x99: {  	[sflag:s17] =	ssyncset.done $0x0  }
0x9a: {  	[sflag:s17] =	ssyncadd.s32 $0xFFFFF800  }
0x9b: {  	_ =	swait.ge [sflag:s17], $0x800  }
0x9c: {  	[sflag:s17] =	ssyncset.done $0x0  }
0x9d: {  	[sflag:s17] =	ssyncadd.s32 $0xFFFFF800  }
0x9e: {  	_ =	swait.ge [sflag:s17], $0x800  }
0x9f: {  	[sflag:s17] =	ssyncset.done $0x0  }
0xa0: {  	[sflag:s17] =	ssyncadd.s32 $0xFFFFF800  }
0xa1: {  	_ =	swait.ge [sflag:s17], $0x800  }
0xa2: {  	[sflag:s17] =	ssyncset.done $0x0  }
0xa3: {  	[sflag:s17] =	ssyncadd.s32 $0xFFFFF800  }
0xa4: {  	_ =	swait.ge [sflag:s17], $0x800  }
0xa5: {  	s20 =	sadd.s32 $0x1, s20;
	[sflag:s17] =	ssyncset.done $0x0  }
0xa6: {  	p0 =	sne.s32 s20, s13;
	[sflag:s17] =	ssyncadd.s32 $0xFFFFF800  }
.Ltmp1:
0xa7: {  	[bflag:$0x0] =	sbarrier.arrive $0xFFFF;
	(pc) =	sbr.rel @p0 .LBB2_1-.Ltmp1, $4  }
0xa8: {  	[hbm:s12], [sflag:s18] =	dma.local [spmem:s19], $0x2800  }
0xa9: {  	_ =	swait.ge [sflag:s15], $0x2800  }
0xaa: {  	[sflag:s15] =	ssyncset.done $0x0  }
0xab: {  	[sflag:s15] =	ssyncadd.s32 $0xFFFFD800  }
0xac: {  	_ =	sfence.sel $0x180000  }
0xad: {  	[bflag:$0x0] =	sbarrier.arrive $0xFFFF  }
0xae: {  	p0 =	sne.s32 s0, $0x0;
	_ =	strace $0x90000047  }
0xaf: {  	s0 =	sadd.s32 @!p0 $0x100000, s2;
	[bflag:$0x2] =	sbarrier.arrive $0xFFFF  }
0xb0: {  	[sflag:s0] =	ssyncadd.tile.s32 @!p0 $0x1;
	_ =	shalt  }
.Lfunc_end2:
_tile_overlayer_lowered:
.L_overlay_start_2:
0xb1: {  	(tag) =	ssettag $0x2  }
0xb2: {  	s0 =	rddreg [dreg:$0x0];
	s2 =	stileid.u32  }
0xb3: {  	s1 =	rddreg [dreg:$0x1];
	p0 =	sne.s32 s2, $0x0  }
0xb4: {  	s3 =	rddreg [dreg:$0x2];
	[bflag:$0x3] =	sbarrier.arrive $0xFFFF;
	s2 =	simm.s32 @!p0 $0x1C02  }
0xb5: {  	[timem:s3], [sflag:s2] =	dma.local @!p0 [hbm:s0], s1  }
0xb6: {  	s0 =	simm.s32 @!p0 $0x2  }
0xb7: {  	_ =	swait.ge @!p0 [sflag:s0], s1  }
0xb8: {  	s1 =	ssub.s32 @!p0 $0x0, s1;
	[sflag:s0] =	ssyncset.done @!p0 $0x0  }
0xb9: {  	[sflag:s0] =	ssyncadd.s32 @!p0 s1  }
0xba: {  	[bflag:$0x3] =	sbarrier.arrive $0xFFFF  }
0xbb: {  	_ =	shalt  }

// kernel: kernel.9.cloned.1.call-start
scs
__scs_entry_jumppad:
0x0: {  	(pc) =	sbr.rel $0x88, $3  }
0x1: {  	(tag) =	ssettag $0x0;
	lr =	simm.s32 $0x1  }
0x2: {  	[smem:$0x3F97] =	sst lr;
	_ =	strace $0xD0000000  }
0x3: {  	_ = 	snop  }
0x4: {  	_ = 	snop  }
0x5: {  	_ = 	snop  }
0x6: {  	_ = 	snop  }
0x7: {  	_ = 	snop  }
__scs_overlays_trampoline_lowered:
0x8: {  	[smem:$0x3FA6] =	sst s0  }
0x9: {  	[smem:$0x3FA7] =	sst s1  }
0xa: {  	[smem:$0x3FA8] =	sst s2  }
0xb: {  	[smem:$0x3FA9] =	sst s3  }
0xc: {  	[smem:$0x3FAA] =	sst s4  }
0xd: {  	[smem:$0x3FAB] =	sst s5  }
0xe: {  	[smem:$0x3FAC] =	sst s6  }
0xf: {  	[smem:$0x3FAD] =	sst s7  }
0x10: {  	[smem:$0x3FAE] =	sst s8  }
0x11: {  	[smem:$0x3FAF] =	sst s9;
	s0 =	simm.s32 @!p0 $0x0  }
0x12: {  	s1 =	sld [smem:$0x3F95];
	s0 =	simm.s32 @p0 $0x1  }
0x13: {  	[smem:$0x3FB0] =	sst s0;
	s0 =	simm.s32 @!p1 $0x0  }
0x14: {  	s2 =	sld [smem:$0x3F94];
	s0 =	simm.s32 @p1 $0x1  }
0x15: {  	[smem:$0x3FB1] =	sst s0;
	s0 =	simm.s32 @!p2 $0x0  }
0x16: {  	s3 =	sld [smem:$0x3FDB];
	s0 =	simm.s32 @p2 $0x1  }
0x17: {  	s4 =	simm.s32 $0x1BF5;
	[smem:$0x3FB3] =	sst s0  }
0x18: {  	s0 =	sld [smem:$0x3F96];
	_ =	swait.ge [sflag:s4], $0x0  }
0x19: {  	s7 =	sld [smem:$0x3F97]  }
0x1a: {  	s8 =	sadd.s32 $0xFFFFE003, lr  }
0x1b: {  	s9 =	sadd.s32 $0xFFFFFEF7, lr;
	s5 =	simm.s32 $0xFFFFFFFF;
	p2 =	slt.u32 s8, $0xFFFFF086  }
0x1c: {  	p1 =	slt.u32 s9, $0xF7A;
	s5 =	simm.s32 @!p2 $0x0  }
0x1d: {  	s5 =	simm.s32 @p1 $0x1;
	p0 =	seq.s32 s7, s2  }
0x1e: {  	s7 =	smul.u32 @!p0 $0xF7A, s2;
	p2 =	seq.s32 @!p0 s5, $0x0  }
0x1f: {  	s9 =	smul.u32 $0xF7A, s1;
	s8 =	simm.s32 @!p0 $0x1BF5;
	p2 =	por !p2, p0  }
0x20: {  	[sflag:s8] =	ssyncset.s32 @!p0 $0xFFFFF086;
	s6 =	sadd.s32 @!p0 s3, s7;
	s7 =	simm.s32 @!p0 $0x108  }
0x21: {  	s3 =	sadd.s32 s3, s9;
	s6 =	sadd.s32 @!p0 $0x88, s6;
	s7 =	simm.s32 @p2 $0x1082  }
0x22: {  	[simem:s7], [sflag:s8] =	dma.local @!p0 [hbm:s6], $0xF7A  }
0x23: {  	s9 =	sor.u32 $0xD0000000, s2;
	s6 =	simm.s32 $0x108;
	_ =	swait.ge @!p0 [sflag:s8], $0x0  }
0x24: {  	s3 =	sadd.s32 $0x88, s3;
	s6 =	simm.s32 @!p1 $0x1082;
	[sflag:s4] =	ssyncset.s32 $0xFFFFF086  }
0x25: {  	[simem:s6], [sflag:s4] =	dma.local [hbm:s3], $0xF7A  }
0x26: {  	[smem:$0x3F97] =	sst s1;
	(tag) =	ssettag s2;
	_ =	strace s9  }
0x27: {  	s1 =	sld [smem:$0x3FA7]  }
0x28: {  	s2 =	sld [smem:$0x3FA8]  }
0x29: {  	s4 =	sld [smem:$0x3FAA]  }
0x2a: {  	p0 =	seq.s32 s5, $0x0;
	s5 =	sld [smem:$0x3FAB]  }
0x2b: {  	s6 =	sld [smem:$0x3FAC]  }
0x2c: {  	s7 =	sld [smem:$0x3FAD]  }
0x2d: {  	s3 =	simm.s32 $0x108;
	s8 =	sld [smem:$0x3FAE]  }
0x2e: {  	s3 =	simm.s32 @!p0 $0x1082;
	s9 =	sld [smem:$0x3FAF]  }
0x2f: {  	lr =	sadd.s32 s0, s3;
	s0 =	sld [smem:$0x3FA6]  }
0x30: {  	s3 =	sld [smem:$0x3FA9]  }
0x31: {  	[smem:$0x3FB2] =	sst s10  }
0x32: {  	s10 =	sld [smem:$0x3FB0];
	_ =	sdelay $0x3  }
0x33: {  	p0 =	seq.s32 s10, $0x1;
	s10 =	sld [smem:$0x3FB2];
	_ =	sdelay $0x3  }
0x34: {  	[smem:$0x3FB2] =	sst s10  }
0x35: {  	s10 =	sld [smem:$0x3FB1];
	_ =	sdelay $0x3  }
0x36: {  	p1 =	seq.s32 s10, $0x1;
	s10 =	sld [smem:$0x3FB2];
	_ =	sdelay $0x3  }
0x37: {  	[smem:$0x3FB2] =	sst s10  }
0x38: {  	s10 =	sld [smem:$0x3FB3]  }
0x39: {  	_ = 	snop;
	(pc) =	sbr.ind lr, $3  }
0x3a: {  	_ = 	snop  }
0x3b: {  	_ = 	snop  }
0x3c: {  	p2 =	seq.s32 s10, $0x1;
	s10 =	sld [smem:$0x3FB2]  }
0x3d: {  	_ =	shalt  }
0x3e: {  	_ =	shalt  }
0x3f: {  	_ =	shalt  }
0x40: {  	_ =	shalt  }
0x41: {  	_ =	shalt  }
0x42: {  	_ =	shalt  }
0x43: {  	_ =	shalt  }
0x44: {  	_ =	shalt  }
0x45: {  	_ =	shalt  }
0x46: {  	_ =	shalt  }
0x47: {  	_ =	shalt  }
0x48: {  	_ =	shalt  }
0x49: {  	_ =	shalt  }
0x4a: {  	_ =	shalt  }
0x4b: {  	_ =	shalt  }
0x4c: {  	_ =	shalt  }
0x4d: {  	_ =	shalt  }
0x4e: {  	_ =	shalt  }
0x4f: {  	_ =	shalt  }
0x50: {  	_ =	shalt  }
0x51: {  	_ =	shalt  }
0x52: {  	_ =	shalt  }
0x53: {  	_ =	shalt  }
0x54: {  	_ =	shalt  }
0x55: {  	_ =	shalt  }
0x56: {  	_ =	shalt  }
0x57: {  	_ =	shalt  }
0x58: {  	_ =	shalt  }
0x59: {  	_ =	shalt  }
0x5a: {  	_ =	shalt  }
0x5b: {  	_ =	shalt  }
0x5c: {  	_ =	shalt  }
0x5d: {  	_ =	shalt  }
0x5e: {  	_ =	shalt  }
0x5f: {  	_ =	shalt  }
0x60: {  	_ =	shalt  }
0x61: {  	_ =	shalt  }
0x62: {  	_ =	shalt  }
0x63: {  	_ =	shalt  }
0x64: {  	_ =	shalt  }
0x65: {  	_ =	shalt  }
0x66: {  	_ =	shalt  }
0x67: {  	_ =	shalt  }
0x68: {  	_ =	shalt  }
0x69: {  	_ =	shalt  }
0x6a: {  	_ =	shalt  }
0x6b: {  	_ =	shalt  }
0x6c: {  	_ =	shalt  }
0x6d: {  	_ =	shalt  }
0x6e: {  	_ =	shalt  }
0x6f: {  	_ =	shalt  }
0x70: {  	_ =	shalt  }
0x71: {  	_ =	shalt  }
0x72: {  	_ =	shalt  }
0x73: {  	_ =	shalt  }
0x74: {  	_ =	shalt  }
0x75: {  	_ =	shalt  }
0x76: {  	_ =	shalt  }
0x77: {  	_ =	shalt  }
0x78: {  	_ =	shalt  }
0x79: {  	_ =	shalt  }
0x7a: {  	_ =	shalt  }
0x7b: {  	_ =	shalt  }
0x7c: {  	_ =	shalt  }
0x7d: {  	_ =	shalt  }
0x7e: {  	_ =	shalt  }
0x7f: {  	_ =	shalt  }
0x80: {  	_ =	shalt  }
0x81: {  	_ =	shalt  }
0x82: {  	_ =	shalt  }
0x83: {  	_ =	shalt  }
0x84: {  	_ =	shalt  }
0x85: {  	_ =	shalt  }
0x86: {  	_ =	shalt  }
0x87: {  	_ =	shalt  }
.Lfunc_end0:
.L_simem_size_0:
called_computation.1_lowered:
.L_overlay_start_0:
0x88: {  	s2 =	sld [smem:$0x3FD9]  }
0x89: {  	s3 =	sld [smem:$0x3FFE];
	_ =	sdelay $0x1  }
0x8a: {  	s1 =	srdreg.scid  }
0x8b: {  	s0 =	sand.u32 $0x1, s1  }
0x8c: {  	s14 =	sshll.u32 s0, $0xA;
	s2 =	sadd.s32 s3, s2  }
0x8d: {  	s2 =	sadd.s32 s2, s14  }
0x8e: {  	[smem:$0x3FBE] =	sst s2  }
0x8f: {  	_ = 	snop  }
0x90: {  	s2 =	sld [smem:$0x3FD0];
	_ =	sdelay $0x2  }
0x91: {  	s15 =	simm.s32 $0xA;
	s4 =	simm.s32 $0x10  }
0x92: {  	[smem:s4], [sflag:s15] =	dma.local [hbm:s2], $0x1  }
0x93: {  	_ =	swait.eq [sflag:s15], $0x1  }
0x94: {  	[sflag:s15] =	ssyncset.done $0x0  }
0x95: {  	[sflag:s15] =	ssyncadd.s32 $0xFFFFFFFF  }
0x96: {  	s16 =	sld [smem:$0x11];
	(tm) =	ssettm $0x1  }
0x97: {  	s17 =	sld [smem:$0x3FFB];
	_ =	sdelay $0x3  }
0x98: {  	_ =	strace s17  }
0x99: {  	s3 =	sld [smem:$0x3FFC];
	_ =	sdelay $0x3  }
0x9a: {  	_ =	strace s3  }
0x9b: {  	s3 =	sld [smem:$0x3FFD];
	_ =	sdelay $0x3  }
0x9c: {  	_ =	strace s3  }
0x9d: {  	_ =	strace $0x8FFFFFFF  }
0x9e: {  	s18 =	sld [smem:$0x3FDB];
	_ =	sdelay $0x1  }
0x9f: {  	s19 =	simm.s32 $_scs_section_size  }
0xa0: {  	s5 =	simm.s32 $_size__tile_overlayer_lowered;
	s6 =	simm.s32 $_tile_overlayer_lowered  }
0xa1: {  	s22 =	simm.s32 $0x1BFF;
	s21 =	sshll.u32 s6, $0x1;
	s3 =	sadd.s32 s19, s18  }
0xa2: {  	s7 =	simm.s32 $0x0;
	s20 =	sshll.u32 s5, $0x1;
	s5 =	sadd.s32 s21, s3  }
0xa3: {  	[timem:s7], [sflag:s22] =	dma.local [hbm:s5], s20  }
0xa4: {  	_ =	swait.ge [sflag:s22], s20  }
0xa5: {  	s4 =	ssub.s32 $0x0, s20;
	[sflag:s22] =	ssyncset.done $0x0  }
0xa6: {  	[sflag:s22] =	ssyncadd.s32 s4;
	_ =	sdelay $0x1  }
0xa7: {  	s23 =	simm.s32 $0x1B8B  }
0xa8: {  	_ =	swait.ge [sflag:s23], $0x1  }
0xa9: {  	[sflag:s23] =	ssyncset.done $0x0  }
0xaa: {  	s25 =	simm.s32 $0x1B8E;
	s24 =	sld [smem:$0x3FFE];
	[sflag:s23] =	ssyncadd.s32 $0xFFFFFFFF  }
0xab: {  	s26 =	simm.s32 $execute0_lowered;
	[smem:$0x3FD2] =	sst s25  }
0xac: {  	s5 =	sshll.u32 s26, $0x1;
	_ =	strace $0x80000049;
	[dreg:$0x1] =	wrdreg $0xFFFFFFFF  }
0xad: {  	s28 =	simm.s32 $_size_execute0_lowered;
	s3 =	sadd.s32 s3, s5;
	[dreg:$0x0] =	wrdreg $0x0  }
0xae: {  	s5 =	sshll.u32 s28, $0x1;
	[dreg:$0x2] =	wrdreg s3  }
0xaf: {  	[dreg:$0x3] =	wrdreg s5  }
0xb0: {  	[dreg:$0x4] =	wrdreg $0xC0  }
0xb1: {  	_ =	task [dreg:s7], $0x5FFFF  }
0xb2: {  	[dreg:$0x1] =	wrdreg $0xFFFFFFFF  }
0xb3: {  	[dreg:$0x0] =	wrdreg $0x60  }
0xb4: {  	[dreg:$0x2] =	wrdreg s24  }
0xb5: {  	[dreg:$0x3] =	wrdreg s16  }
0xb6: {  	[dreg:$0x4] =	wrdreg $0x120000  }
0xb7: {  	[dreg:$0x5] =	wrdreg $0x9  }
0xb8: {  	_ =	task.clear_ibuf [dreg:s7], $0x6FFFF;
	_ =	strace $0x90000049  }
0xb9: {  	s29 =	simm.s32 $0x9;
	_ =	strace $0x8000004B  }
0xba: {  	_ =	swait.ge [sflag:s29], $0x1  }
0xbb: {  	[sflag:s29] =	ssyncadd.s32 $0xFFFFFFFF  }
0xbc: {  	_ =	strace $0x9000004B  }
0xbd: {  	_ =	sfence  }
0xbe: {  	s30 =	sld [smem:$0x0];
	_ =	sdelay $0x2  }
0xbf: {  	s31 =	sshll.u32 s1, $0xD;
	s1 =	sshrl.u32 s1, $0x2  }
0xc0: {  	s3 =	sand.u32 $0x4000, s31;
	s1 =	sadd.s32 s1, s30  }
0xc1: {  	s0 =	sor.u32 s3, s0;
	s1 =	sshll.u32 s1, $0x11  }
0xc2: {  	s0 =	sor.u32 s1, s0  }
0xc3: {  	s0 =	sadd.s32 $0x8F2B, s0  }
0xc4: {  	[sflag:s0] =	ssyncadd.remote.s32 $0x1  }
0xc5: {  	_ =	sfence.sel $0xFFFF  }
0xc6: {  	[dreg:$0x0] =	wrdreg $0xFFFFFFFF;
	(pc) =	sbr.abs _section_cstart, $3  }
0xc7: {  	[dreg:$0x1] =	wrdreg $0xFFFFFFFF  }
0xc8: {  	_ =	task.clear_ibuf [dreg:s7], $0x2FFFF;
	_ =	strace $0x9FFFFFFF  }
0xc9: {  	(tm) =	ssettm $0x7FFFFFFF  }
tec
execute0_lowered:
.L_overlay_start_1:
0x0: {  	(tag) =	ssettag $0x1  }
0x1: {  	s0 =	rddreg [dreg:$0x0];
	s1 =	srdreg.scid  }
0x2: {  	s9 =	stileid.u32;
	s3 =	rddreg [dreg:$0x2]  }
0x3: {  	s4 =	simm.s32 $0x0;
	s15 =	simm.s32 $0xA000;
	s16 =	simm.s32 $0x5  }
0x4: {  	s18 =	simm.s32 $0x80;
	s19 =	simm.s32 $0xC000;
	s21 =	simm.s32 $0xE000  }
0x5: {  	s22 =	simm.s32 $0x180;
	s23 =	simm.s32 $0x10000;
	s2 =	smul.u32 $0x5000, s9  }
0x6: {  	s24 =	simm.s32 $0x1;
	s28 =	simm.s32 $0x4;
	s7 =	smul.u32 $0xA000, s9  }
0x7: {  	s29 =	simm.s32 $0x9E00;
	s1 =	sand.u32 $0x1, s1;
	s25 =	smul.u32 $0x28000, s9  }
0x8: {  	s30 =	simm.s32 $0x9E80;
	s31 =	simm.s32 $0x9F00;
	s5 =	smul.u32 $0x50000, s1  }
0x9: {  	[smem:$0x7FF] =	sst s4;
	s8 =	smul.u32 $0xA0000, s1;
	s1 =	ssub.s32 $0x2, s1  }
0xa: {  	_ =	strace $0x8000004A;
	s26 =	sshrl.u32 s1, $0x1;
	s6 =	sadd.s32 s2, s5  }
0xb: {  	s5 =	sadd.s32 $0x97A00, s0;
	s2 =	sshrl.u32 s2, $0x3;
	s8 =	sadd.s32 s7, s8  }
0xc: {  	s1 =	ssub.s32 s1, s26;
	s26 =	simm.s32 $0x3;
	s6 =	sshrl.u32 s6, $0x3  }
0xd: {  	s2 =	sadd.s32 s2, s0;
	s8 =	sshrl.u32 s8, $0x3;
	s14 =	smax.u32 s1, $0x1  }
0xe: {  	s1 =	simm.s32 $0x9F80;
	s11 =	sadd.s32 s6, s0;
	s6 =	sshrl.u32 s25, $0x2  }
0xf: {  	s0 =	sadd.s32 s8, s0;
	s12 =	sadd.s32 $0x2800, s2;
	s25 =	simm.s32 $0x2  }
0x10: {  	s2 =	simm.s32 $0x0;
	s10 =	sadd.s32 s6, s3;
	s6 =	sadd.s32 s7, s3  }
0x11: {  	s11 =	sadd.s32 $0x5C800, s11;
	s13 =	sadd.s32 $0xBEC00, s0;
	s7 =	sadd.s32 $0x2000, s10  }
0x12: {  	s8 =	sadd.s32 $0x4000, s10;
	s9 =	sadd.s32 $0x6000, s10;
	s10 =	sadd.s32 $0x8000, s10  }
.LBB2_1:
0x13: {  	s0 =	rddreg [dreg:$0x1]  }
0x14: {  	[tilespmem:s15], [sflag:$0x5] =	stream.linear.gather [hbm4b:s0+s4], $0x2000, $0x38;
	[tilespmem:$0x1C000] =	vst v63  }
0x15: {  	_ =	swait.ge [sflag:s16], $0x2000  }
0x16: {  	[sflag:s16] =	ssyncset.done $0x0  }
0x17: {  	[sflag:s16] =	ssyncadd.s32 $0xFFFFE000  }
0x18: {  	[spmem:s6] =	stream.linear.scatter [tilespmem:s15], [sflag:$0x5], $0x2000, $0x38;
	[tilespmem:$0x1C000] =	vst v63  }
0x19: {  	_ =	swait.ge [sflag:s16], $0x2000  }
0x1a: {  	[sflag:s16] =	ssyncset.done $0x0  }
0x1b: {  	[sflag:s16] =	ssyncadd.s32 $0xFFFFE000  }
0x1c: {  	[spmem:s7] =	stream.linear.scatter [tilespmem:s15], [sflag:$0x5], $0x2000, $0x38;
	[tilespmem:$0x1C000] =	vst v63  }
0x1d: {  	_ =	swait.ge [sflag:s16], $0x2000  }
0x1e: {  	[sflag:s16] =	ssyncset.done $0x0  }
0x1f: {  	[sflag:s16] =	ssyncadd.s32 $0xFFFFE000  }
0x20: {  	[spmem:s8] =	stream.linear.scatter [tilespmem:s15], [sflag:$0x5], $0x2000, $0x38;
	[tilespmem:$0x1C000] =	vst v63  }
0x21: {  	_ =	swait.ge [sflag:s16], $0x2000  }
0x22: {  	[sflag:s16] =	ssyncset.done $0x0  }
0x23: {  	[sflag:s16] =	ssyncadd.s32 $0xFFFFE000  }
0x24: {  	[spmem:s9] =	stream.linear.scatter [tilespmem:s15], [sflag:$0x5], $0x2000, $0x38;
	[tilespmem:$0x1C000] =	vst v63  }
0x25: {  	_ =	swait.ge [sflag:s16], $0x2000  }
0x26: {  	[sflag:s16] =	ssyncset.done $0x0  }
0x27: {  	[sflag:s16] =	ssyncadd.s32 $0xFFFFE000  }
0x28: {  	[spmem:s10] =	stream.linear.scatter [tilespmem:s15], [sflag:$0x5], $0x2000, $0x38;
	[tilespmem:$0x1C000] =	vst v63  }
0x29: {  	_ =	swait.ge [sflag:s16], $0x2000  }
0x2a: {  	[sflag:s16] =	ssyncset.done $0x0  }
0x2b: {  	[sflag:s16] =	ssyncadd.s32 $0xFFFFE000  }
0x2c: {  	[tilespmem:s4], [sflag:$0x5] =	stream.linear.gather [hbm4b:s11+s4], $0x5000, $0x38;
	[tilespmem:$0x1C000] =	vst v63  }
0x2d: {  	_ =	swait.ge [sflag:s16], $0x5000  }
0x2e: {  	[sflag:s16] =	ssyncset.done $0x0  }
0x2f: {  	s20 =	simm.s32 $0x5000;
	[sflag:s16] =	ssyncadd.s32 $0xFFFFB000  }
0x30: {  	[tilespmem:s20], [sflag:$0x5] =	stream.linear.gather [hbm4b:s12+s4], $0x5000, $0x38;
	[tilespmem:$0x1C000] =	vst v63  }
0x31: {  	_ =	swait.ge [sflag:s16], $0x5000  }
0x32: {  	[sflag:s16] =	ssyncset.done $0x0  }
0x33: {  	[sflag:s16] =	ssyncadd.s32 $0xFFFFB000  }
0x34: {  	[bflag:$0x0] =	sbarrier.arrive $0xFFFF  }
0x35: {  	[tilespmem:s15], [sflag:$0x1] =	stream.indirect.gather [hbm4b:s5+s18], $0x40, s4, s18, $0xb8;
	[tilespmem:$0x1C000] =	vst v63  }
0x36: {  	_ = 	snop  }
0x37: {  	[tilespmem:s19], [sflag:$0x2] =	stream.indirect.gather [hbm4b:s5+s18], $0x40, s18, s18, $0xb8;
	[tilespmem:$0x1C000] =	vst v63  }
0x38: {  	s17 =	simm.s32 $0x100  }
0x39: {  	[tilespmem:s21], [sflag:$0x3] =	stream.indirect.gather [hbm4b:s5+s18], $0x40, s17, s18, $0xb8;
	[tilespmem:$0x1C000] =	vst v63  }
0x3a: {  	_ = 	snop  }
0x3b: {  	[tilespmem:s23], [sflag:$0x4] =	stream.indirect.gather [hbm4b:s5+s18], $0x40, s22, s18, $0xb8;
	[tilespmem:$0x1C000] =	vst v63  }
0x3c: {  	_ =	swait.ge [sflag:s24], $0x2000  }
0x3d: {  	[sflag:s24] =	ssyncset.done $0x0  }
0x3e: {  	s20 =	simm.s32 $0x5000;
	[sflag:s24] =	ssyncadd.s32 $0xFFFFE000  }
0x3f: {  	[spmem:s3] =	stream.indirect.scatter.add.f32 [tilespmem:s15], [sflag:$0x5], $0x40, s20, s18, $0xb8;
	[tilespmem:$0x1C000] =	vst v63  }
0x40: {  	_ =	swait.ge [sflag:s16], $0x2000  }
0x41: {  	[sflag:s16] =	ssyncset.done $0x0  }
0x42: {  	s17 =	simm.s32 $0x200;
	[sflag:s16] =	ssyncadd.s32 $0xFFFFE000  }
0x43: {  	[tilespmem:s15], [sflag:$0x1] =	stream.indirect.gather [hbm4b:s5+s18], $0x40, s17, s18, $0xb8;
	[tilespmem:$0x1C000] =	vst v63  }
0x44: {  	_ =	swait.ge [sflag:s25], $0x2000  }
0x45: {  	[sflag:s25] =	ssyncset.done $0x0  }
0x46: {  	s20 =	simm.s32 $0x5080;
	[sflag:s25] =	ssyncadd.s32 $0xFFFFE000  }
0x47: {  	[spmem:s3] =	stream.indirect.scatter.add.f32 [tilespmem:s19], [sflag:$0x5], $0x40, s20, s18, $0xb8;
	[tilespmem:$0x1C000] =	vst v63  }
0x48: {  	_ =	swait.ge [sflag:s16], $0x2000  }
0x49: {  	[sflag:s16] =	ssyncset.done $0x0  }
0x4a: {  	s17 =	simm.s32 $0x280;
	[sflag:s16] =	ssyncadd.s32 $0xFFFFE000  }
0x4b: {  	[tilespmem:s19], [sflag:$0x2] =	stream.indirect.gather [hbm4b:s5+s18], $0x40, s17, s18, $0xb8;
	[tilespmem:$0x1C000] =	vst v63  }
0x4c: {  	_ =	swait.ge [sflag:s26], $0x2000  }
0x4d: {  	[sflag:s26] =	ssyncset.done $0x0  }
0x4e: {  	s20 =	simm.s32 $0x5100;
	[sflag:s26] =	ssyncadd.s32 $0xFFFFE000  }
0x4f: {  	[spmem:s3] =	stream.indirect.scatter.add.f32 [tilespmem:s21], [sflag:$0x5], $0x40, s20, s18, $0xb8;
	[tilespmem:$0x1C000] =	vst v63  }
0x50: {  	_ =	swait.ge [sflag:s16], $0x2000  }
0x51: {  	[sflag:s16] =	ssyncset.done $0x0  }
0x52: {  	s17 =	simm.s32 $0x300;
	[sflag:s16] =	ssyncadd.s32 $0xFFFFE000  }
0x53: {  	[tilespmem:s21], [sflag:$0x3] =	stream.indirect.gather [hbm4b:s5+s18], $0x40, s17, s18, $0xb8;
	[tilespmem:$0x1C000] =	vst v63  }
0x54: {  	_ =	swait.ge [sflag:s28], $0x2000  }
0x55: {  	[sflag:s28] =	ssyncset.done $0x0  }
0x56: {  	s20 =	simm.s32 $0x5180;
	[sflag:s28] =	ssyncadd.s32 $0xFFFFE000  }
0x57: {  	[spmem:s3] =	stream.indirect.scatter.add.f32 [tilespmem:s23], [sflag:$0x5], $0x40, s20, s18, $0xb8;
	[tilespmem:$0x1C000] =	vst v63  }
0x58: {  	_ =	swait.ge [sflag:s16], $0x2000  }
0x59: {  	[sflag:s16] =	ssyncset.done $0x0  }
0x5a: {  	s0 =	simm.s32 $0x800;
	s17 =	simm.s32 $0x380;
	[sflag:s16] =	ssyncadd.s32 $0xFFFFE000  }
.LBB2_2:
0x5b: {  	[tilespmem:s23], [sflag:$0x4] =	stream.indirect.gather [hbm4b:s5+s18], $0x40, s17, s18, $0xb8;
	[tilespmem:$0x1C000] =	vst v63  }
0x5c: {  	s17 =	smov.u32 s0  }
0x5d: {  	p0 =	sne.s32 s0, $0x13000;
	s0 =	sadd.s32 $0x800, s0;
	_ =	swait.ge [sflag:s24], $0x2000  }
0x5e: {  	s17 =	sshra.s32 s17, $0x2;
	[sflag:s24] =	ssyncset.done $0x0  }
0x5f: {  	s20 =	sadd.s32 $0x5000, s17;
	[sflag:s24] =	ssyncadd.s32 $0xFFFFE000  }
0x60: {  	[spmem:s3] =	stream.indirect.scatter.add.f32 [tilespmem:s15], [sflag:$0x5], $0x40, s20, s18, $0xb8;
	[tilespmem:$0x1C000] =	vst v63  }
0x61: {  	_ =	swait.ge [sflag:s16], $0x2000  }
0x62: {  	[sflag:s16] =	ssyncset.done $0x0  }
0x63: {  	s20 =	sadd.s32 $0x200, s17;
	[sflag:s16] =	ssyncadd.s32 $0xFFFFE000  }
0x64: {  	[tilespmem:s15], [sflag:$0x1] =	stream.indirect.gather [hbm4b:s5+s18], $0x40, s20, s18, $0xb8;
	[tilespmem:$0x1C000] =	vst v63  }
0x65: {  	_ =	swait.ge [sflag:s25], $0x2000  }
0x66: {  	[sflag:s25] =	ssyncset.done $0x0  }
0x67: {  	s20 =	sadd.s32 $0x5080, s17;
	[sflag:s25] =	ssyncadd.s32 $0xFFFFE000  }
0x68: {  	[spmem:s3] =	stream.indirect.scatter.add.f32 [tilespmem:s19], [sflag:$0x5], $0x40, s20, s18, $0xb8;
	[tilespmem:$0x1C000] =	vst v63  }
0x69: {  	_ =	swait.ge [sflag:s16], $0x2000  }
0x6a: {  	[sflag:s16] =	ssyncset.done $0x0  }
0x6b: {  	s20 =	sadd.s32 $0x280, s17;
	[sflag:s16] =	ssyncadd.s32 $0xFFFFE000  }
0x6c: {  	[tilespmem:s19], [sflag:$0x2] =	stream.indirect.gather [hbm4b:s5+s18], $0x40, s20, s18, $0xb8;
	[tilespmem:$0x1C000] =	vst v63  }
0x6d: {  	_ =	swait.ge [sflag:s26], $0x2000  }
0x6e: {  	[sflag:s26] =	ssyncset.done $0x0  }
0x6f: {  	s20 =	sadd.s32 $0x5100, s17;
	[sflag:s26] =	ssyncadd.s32 $0xFFFFE000  }
0x70: {  	[spmem:s3] =	stream.indirect.scatter.add.f32 [tilespmem:s21], [sflag:$0x5], $0x40, s20, s18, $0xb8;
	[tilespmem:$0x1C000] =	vst v63  }
0x71: {  	_ =	swait.ge [sflag:s16], $0x2000  }
0x72: {  	[sflag:s16] =	ssyncset.done $0x0  }
0x73: {  	s20 =	sadd.s32 $0x300, s17;
	[sflag:s16] =	ssyncadd.s32 $0xFFFFE000  }
0x74: {  	[tilespmem:s21], [sflag:$0x3] =	stream.indirect.gather [hbm4b:s5+s18], $0x40, s20, s18, $0xb8;
	[tilespmem:$0x1C000] =	vst v63  }
0x75: {  	_ =	swait.ge [sflag:s28], $0x2000  }
0x76: {  	[sflag:s28] =	ssyncset.done $0x0  }
.Ltmp0:
0x77: {  	s20 =	sadd.s32 $0x5180, s17;
	[sflag:s28] =	ssyncadd.s32 $0xFFFFE000;
	(pc) =	sbr.rel @p0 .LBB2_2-.Ltmp0, $4  }
0x78: {  	[spmem:s3] =	stream.indirect.scatter.add.f32 [tilespmem:s23], [sflag:$0x5], $0x40, s20, s18, $0xb8;
	[tilespmem:$0x1C000] =	vst v63  }
0x79: {  	_ =	swait.ge [sflag:s16], $0x2000  }
0x7a: {  	[sflag:s16] =	ssyncset.done $0x0  }
0x7b: {  	s17 =	sadd.s32 $0x380, s17;
	[sflag:s16] =	ssyncadd.s32 $0xFFFFE000  }
0x7c: {  	[tilespmem:s23], [sflag:$0x4] =	stream.indirect.gather [hbm4b:s5+s18], $0x40, s17, s18, $0xb8;
	[tilespmem:$0x1C000] =	vst v63  }
0x7d: {  	_ =	swait.ge [sflag:s24], $0x2000  }
0x7e: {  	[sflag:s24] =	ssyncset.done $0x0  }
0x7f: {  	[sflag:s24] =	ssyncadd.s32 $0xFFFFE000  }
0x80: {  	[spmem:s3] =	stream.indirect.scatter.add.f32 [tilespmem:s15], [sflag:$0x5], $0x40, s29, s18, $0xb8;
	[tilespmem:$0x1C000] =	vst v63  }
0x81: {  	_ =	swait.ge [sflag:s16], $0x2000  }
0x82: {  	[sflag:s16] =	ssyncset.done $0x0  }
0x83: {  	[sflag:s16] =	ssyncadd.s32 $0xFFFFE000  }
0x84: {  	_ =	swait.ge [sflag:s25], $0x2000  }
0x85: {  	[sflag:s25] =	ssyncset.done $0x0  }
0x86: {  	[sflag:s25] =	ssyncadd.s32 $0xFFFFE000  }
0x87: {  	[spmem:s3] =	stream.indirect.scatter.add.f32 [tilespmem:s19], [sflag:$0x5], $0x40, s30, s18, $0xb8;
	[tilespmem:$0x1C000] =	vst v63  }
0x88: {  	_ =	swait.ge [sflag:s16], $0x2000  }
0x89: {  	[sflag:s16] =	ssyncset.done $0x0  }
0x8a: {  	[sflag:s16] =	ssyncadd.s32 $0xFFFFE000  }
0x8b: {  	_ =	swait.ge [sflag:s26], $0x2000  }
0x8c: {  	[sflag:s26] =	ssyncset.done $0x0  }
0x8d: {  	[sflag:s26] =	ssyncadd.s32 $0xFFFFE000  }
0x8e: {  	[spmem:s3] =	stream.indirect.scatter.add.f32 [tilespmem:s21], [sflag:$0x5], $0x40, s31, s18, $0xb8;
	[tilespmem:$0x1C000] =	vst v63  }
0x8f: {  	_ =	swait.ge [sflag:s16], $0x2000  }
0x90: {  	[sflag:s16] =	ssyncset.done $0x0  }
0x91: {  	[sflag:s16] =	ssyncadd.s32 $0xFFFFE000  }
0x92: {  	_ =	swait.ge [sflag:s28], $0x2000  }
0x93: {  	[sflag:s28] =	ssyncset.done $0x0  }
0x94: {  	[sflag:s28] =	ssyncadd.s32 $0xFFFFE000  }
0x95: {  	[spmem:s3] =	stream.indirect.scatter.add.f32 [tilespmem:s23], [sflag:$0x5], $0x40, s1, s18, $0xb8;
	[tilespmem:$0x1C000] =	vst v63  }
0x96: {  	s0 =	stileid.u32;
	_ =	swait.ge [sflag:s16], $0x2000  }
0x97: {  	s20 =	sshrl.u32 s6, $0x3;
	s2 =	sadd.s32 $0x1, s2;
	[sflag:s16] =	ssyncset.done $0x0  }
0x98: {  	s0 =	sshll.u32 s0, $0x6;
	p0 =	sne.s32 s2, s14;
	[sflag:s16] =	ssyncadd.s32 $0xFFFFE000  }
.Ltmp1:
0x99: {  	s0 =	sor.u32 $0x1C05, s0;
	[bflag:$0x0] =	sbarrier.arrive $0xFFFF;
	(pc) =	sbr.rel @p0 .LBB2_1-.Ltmp1, $4  }
0x9a: {  	[hbm:s13], [sflag:s0] =	dma.local [spmem:s20], $0x1400  }
0x9b: {  	_ =	swait.ge [sflag:s16], $0x1400  }
0x9c: {  	[sflag:s16] =	ssyncset.done $0x0  }
0x9d: {  	[sflag:s16] =	ssyncadd.s32 $0xFFFFEC00  }
0x9e: {  	_ =	sfence.sel $0x180000  }
0x9f: {  	[bflag:$0x0] =	sbarrier.arrive $0xFFFF  }
0xa0: {  	_ =	strace $0x9000004A  }
0xa1: {  	s0 =	stileid.u32;
	[bflag:$0x2] =	sbarrier.arrive $0xFFFF  }
0xa2: {  	p0 =	sne.s32 s0, $0x0;
	s0 =	rddreg [dreg:$0x3]  }
0xa3: {  	s0 =	sadd.s32 @!p0 $0x100000, s0  }
0xa4: {  	[sflag:s0] =	ssyncadd.tile.s32 @!p0 $0x1;
	_ =	shalt  }
.Lfunc_end2:
_tile_overlayer_lowered:
.L_overlay_start_2:
0xa5: {  	(tag) =	ssettag $0x2  }
0xa6: {  	s0 =	rddreg [dreg:$0x0];
	s2 =	stileid.u32  }
0xa7: {  	s1 =	rddreg [dreg:$0x1];
	p0 =	sne.s32 s2, $0x0  }
0xa8: {  	s3 =	rddreg [dreg:$0x2];
	[bflag:$0x3] =	sbarrier.arrive $0xFFFF;
	s2 =	simm.s32 @!p0 $0x1C05  }
0xa9: {  	[timem:s3], [sflag:s2] =	dma.local @!p0 [hbm:s0], s1  }
0xaa: {  	s0 =	simm.s32 @!p0 $0x5  }
0xab: {  	_ =	swait.ge @!p0 [sflag:s0], s1  }
0xac: {  	s1 =	ssub.s32 @!p0 $0x0, s1;
	[sflag:s0] =	ssyncset.done @!p0 $0x0  }
0xad: {  	[sflag:s0] =	ssyncadd.s32 @!p0 s1  }
0xae: {  	[bflag:$0x3] =	sbarrier.arrive $0xFFFF  }
0xaf: {  	_ =	shalt  }

</sc_bundles>
